<compile_context>
chip_gen: v7x
topology: tpu7x:2x2x1
jax: 0.10.2.dev20260603
libtpu: 0.0.44.dev20260713+nightly
codegen_flags: <defaults>
</compile_context>

<pallas_src>
import functools

import jax
import jax.numpy as jnp
from jax import lax
from jax.experimental import pallas as pl
from jax.experimental.pallas import tpu as pltpu
from jax.experimental.pallas import tpu_sc as plsc

N = 10000
E = 320000
NFEAT = 128
HID = 64
W = 128

NC = 2
NS = 16
NW = NC * NS
EPW = E // NW
EPW_PAD = 10240
DCH = 128
DNCH = EPW_PAD // DCH
SCH = 64
SNCH = EPW_PAD // SCH
ACC_ROWS = 10240
ZROWS = ACC_ROWS // NS
SENT = N

_mesh = plsc.VectorSubcoreMesh(core_axis_name="c", subcore_axis_name="s")


@functools.partial(
    pl.kernel,
    out_type=jax.ShapeDtypeStruct((NC, ACC_ROWS, W), jnp.float32),
    mesh=_mesh,
    scratch_types=[
        pltpu.VMEM_SHARED((ACC_ROWS, W), jnp.float32),
        pltpu.VMEM((DNCH, DCH), jnp.int32),
        pltpu.VMEM((DCH, W), jnp.float32),
        pltpu.SemaphoreType.DMA,
    ],
)
def _deg_kernel(dst_hbm, ones_hbm, zeros_hbm, deg_hbm, acc_sp, dst_v, ones_v,
                sem):
    cid = lax.axis_index("c")
    sid = lax.axis_index("s")
    wid = cid * NS + sid
    pltpu.sync_copy(zeros_hbm, acc_sp.at[pl.ds(sid * ZROWS, ZROWS)])
    pltpu.sync_copy(ones_hbm, ones_v)
    pltpu.sync_copy(dst_hbm.at[wid], dst_v)
    plsc.subcore_barrier()

    @pl.loop(0, DNCH)
    def _(j):
        pltpu.sync_copy(ones_v, acc_sp.at[dst_v.at[j]], add=True)

    plsc.subcore_barrier()
    pltpu.sync_copy(acc_sp.at[pl.ds(sid * ZROWS, ZROWS)],
                    deg_hbm.at[cid, pl.ds(sid * ZROWS, ZROWS)])


@functools.partial(
    pl.kernel,
    out_type=jax.ShapeDtypeStruct((NC, ACC_ROWS, W), jnp.float32),
    mesh=_mesh,
    scratch_types=[
        pltpu.VMEM_SHARED((ACC_ROWS, W), jnp.float32),
        pltpu.VMEM((SNCH // 2, SCH), jnp.int32),
        pltpu.VMEM((SNCH // 2, SCH), jnp.int32),
        pltpu.VMEM((SCH, W), jnp.float32),
        pltpu.VMEM((SCH, W), jnp.float32),
        pltpu.SemaphoreType.DMA,
        pltpu.SemaphoreType.DMA,
    ],
)
def _segsum_kernel(hs2_hbm, src_hbm, dst_hbm, zeros_hbm, s_hbm,
                   acc_sp, src_v, dst_v, rows0, rows1, sem0, sem1):
    cid = lax.axis_index("c")
    sid = lax.axis_index("s")
    wid = cid * NS + sid
    pltpu.sync_copy(zeros_hbm, acc_sp.at[pl.ds(sid * ZROWS, ZROWS)])
    plsc.subcore_barrier()

    PH = SNCH // 2
    for phase in range(2):
        pltpu.sync_copy(src_hbm.at[wid, pl.ds(phase * PH, PH)], src_v)
        pltpu.sync_copy(dst_hbm.at[wid, pl.ds(phase * PH, PH)], dst_v)
        pltpu.async_copy(hs2_hbm.at[src_v.at[0]], rows0, sem0)

        @pl.loop(0, PH, step=2)
        def _(j):
            pltpu.async_copy(hs2_hbm.at[src_v.at[j + 1]], rows1, sem1)
            pltpu.make_async_copy(hs2_hbm.at[src_v.at[j]], rows0, sem0).wait()
            pltpu.sync_copy(rows0, acc_sp.at[dst_v.at[j]], add=True)

            @pl.when(j + 2 < PH)
            def _():
                pltpu.async_copy(hs2_hbm.at[src_v.at[j + 2]], rows0, sem0)

            pltpu.make_async_copy(hs2_hbm.at[src_v.at[j + 1]], rows1, sem1).wait()
            pltpu.sync_copy(rows1, acc_sp.at[dst_v.at[j + 1]], add=True)

    plsc.subcore_barrier()
    pltpu.sync_copy(acc_sp.at[pl.ds(sid * ZROWS, ZROWS)],
                    s_hbm.at[cid, pl.ds(sid * ZROWS, ZROWS)])


BLK = 1000


def _mm1_body(x_ref, w1_ref, b1_ref, wg_ref, o_ref):
    h = jnp.dot(x_ref[...], w1_ref[...], preferred_element_type=jnp.float32)
    h = jnp.maximum(h + b1_ref[...][None, :], 0.0)
    o_ref[...] = jnp.dot(h, wg_ref[...], preferred_element_type=jnp.float32)


_mm1 = pl.pallas_call(
    _mm1_body,
    grid=(N // BLK,),
    in_specs=[
        pl.BlockSpec((BLK, NFEAT), lambda i: (i, 0)),
        pl.BlockSpec((NFEAT, HID), lambda i: (0, 0)),
        pl.BlockSpec((HID,), lambda i: (0,)),
        pl.BlockSpec((HID, HID), lambda i: (0, 0)),
    ],
    out_specs=pl.BlockSpec((BLK, HID), lambda i: (i, 0)),
    out_shape=jax.ShapeDtypeStruct((N, HID), jnp.float32),
)


def _scale_body(deg_ref, hlin_ref, o_ref):
    deg = deg_ref[0, :, 0:1] + deg_ref[1, :, 0:1] + 1.0
    hs = hlin_ref[...] * lax.rsqrt(deg)
    o_ref[...] = jnp.concatenate([hs, hs], axis=1)


_scale = pl.pallas_call(
    _scale_body,
    grid=(N // BLK,),
    in_specs=[
        pl.BlockSpec((NC, BLK, W), lambda i: (0, i, 0)),
        pl.BlockSpec((BLK, HID), lambda i: (i, 0)),
    ],
    out_specs=pl.BlockSpec((BLK, W), lambda i: (i, 0)),
    out_shape=jax.ShapeDtypeStruct((N, W), jnp.float32),
)


def _final_body(deg_ref, s_ref, hs2_ref, bg_ref, w2_ref, b2_ref, o_ref):
    deg = deg_ref[0, :, 0:1] + deg_ref[1, :, 0:1] + 1.0
    dinv = lax.rsqrt(deg)
    g = ((s_ref[0, :, :HID] + s_ref[1, :, :HID] + hs2_ref[:, :HID]) * dinv
         + bg_ref[...][None, :])
    o = jnp.dot(g, w2_ref[...], preferred_element_type=jnp.float32)
    o_ref[...] = jnp.maximum(o + b2_ref[...][None, :], 0.0)


_final = pl.pallas_call(
    _final_body,
    grid=(N // BLK,),
    in_specs=[
        pl.BlockSpec((NC, BLK, W), lambda i: (0, i, 0)),
        pl.BlockSpec((NC, BLK, W), lambda i: (0, i, 0)),
        pl.BlockSpec((BLK, W), lambda i: (i, 0)),
        pl.BlockSpec((HID,), lambda i: (0,)),
        pl.BlockSpec((HID, HID), lambda i: (0, 0)),
        pl.BlockSpec((HID,), lambda i: (0,)),
    ],
    out_specs=pl.BlockSpec((BLK, HID), lambda i: (i, 0)),
    out_shape=jax.ShapeDtypeStruct((N, HID), jnp.float32),
)


def kernel(x, edge_index, W1, b1, Wg, bg, W2, b2):
    src = edge_index[0].reshape(NW, EPW)
    dst = edge_index[1].reshape(NW, EPW)
    npad = EPW_PAD - EPW
    pad_src = jnp.broadcast_to((jnp.arange(npad, dtype=jnp.int32) * 37) % N,
                               (NW, npad))
    pad_dst = jnp.broadcast_to(SENT + (jnp.arange(npad, dtype=jnp.int32)
                                       % (ACC_ROWS - N)), (NW, npad))
    srcp = jnp.concatenate([src, pad_src], axis=1).reshape(NW, SNCH, SCH)
    dstp = jnp.concatenate([dst, pad_dst], axis=1)
    dstp_deg = dstp.reshape(NW, DNCH, DCH)
    dstp_seg = dstp.reshape(NW, SNCH, SCH)
    ones = jnp.ones((DCH, W), jnp.float32)
    zeros = jnp.zeros((ZROWS, W), jnp.float32)

    deg = _deg_kernel(dstp_deg, ones, zeros)
    hlin = _mm1(x, W1, b1, Wg)
    hs2 = _scale(deg, hlin)
    s = _segsum_kernel(hs2, srcp, dstp_seg, zeros)
    return _final(deg, s, hs2, bg, W2, b2)

# --- scband reference (transcript-rebuilt; emitter-appended) ---
"""Pipeline reference for scband-son-net-8967891714117 (READ-ONLY COPY).

The authoritative reference and input builder live on the scoring server;
editing this copy changes nothing except your own understanding.
"""

import jax, jax.numpy as jnp
import numpy as np

N = 10000
E = 320000
NFEAT = 128
HID = 64
NCLASS = 64

# Assumed supermask = [3, 4, 0, 0, 0, 0, 0, 3]:
#  x3 = Linear(nfeat, 64) followed by F.relu,
#  y01_4 = GCNConv(64, 64),
#  z3 = Linear(64, nclass) followed by F.relu.

def setup_inputs(seed: int = 0) -> dict:
    key = jax.random.key(seed)
    ks = jax.random.split(key, 8)
    x = jax.random.normal(ks[0], (N, NFEAT), dtype=jnp.float32)
    edge_index = jax.random.randint(ks[1], (2, E), 0, N, dtype=jnp.int32)
    W1 = jax.random.normal(ks[2], (NFEAT, HID), dtype=jnp.float32) * (1.0 / np.sqrt(NFEAT))
    b1 = jnp.zeros((HID,), dtype=jnp.float32)
    Wg = jax.random.normal(ks[3], (HID, HID), dtype=jnp.float32) * (1.0 / np.sqrt(HID))
    bg = jnp.zeros((HID,), dtype=jnp.float32)
    W2 = jax.random.normal(ks[4], (HID, NCLASS), dtype=jnp.float32) * (1.0 / np.sqrt(HID))
    b2 = jnp.zeros((NCLASS,), dtype=jnp.float32)
    return {"x": x, "edge_index": edge_index, "W1": W1, "b1": b1, "Wg": Wg, "bg": bg, "W2": W2, "b2": b2}


def reference(x, edge_index, W1, b1, Wg, bg, W2, b2):
    # input block: relu(Linear(nfeat, 64))
    h = jax.nn.relu(x @ W1 + b1)
    # GCNConv(64, 64) with added self-loops and symmetric normalization
    src = edge_index[0]
    dst = edge_index[1]
    loop = jnp.arange(N, dtype=src.dtype)
    src = jnp.concatenate([src, loop])
    dst = jnp.concatenate([dst, loop])
    deg = jnp.zeros((N,), dtype=jnp.float32).at[dst].add(1.0)
    dinv = jnp.where(deg > 0, jax.lax.rsqrt(deg), 0.0)
    norm = dinv[src] * dinv[dst]
    hlin = h @ Wg
    msg = jnp.take(hlin, src, axis=0) * norm[:, None]
    agg = jax.ops.segment_sum(msg, dst, num_segments=N)
    gcn_out = agg + bg
    # output block: relu(Linear(64, nclass))
    out = jax.nn.relu(gcn_out @ W2 + b2)
    return out

if __name__ == "__main__":
    import jax
    _d = setup_inputs()
    print(jax.jit(kernel)(*tuple(_d.values())))

</pallas_src>

<mosaic_0001>
#map = affine_map<(d0, d1) -> (0, 0, 0)>
#map1 = affine_map<(d0, d1) -> (0, 0)>
module attributes {stable_mosaic.version = 14 : i64} {
  func.func @_deg_kernel(%arg0: i32, %arg1: i32, %arg2: memref<32x80x128xi32, #tpu.memory_space<hbm>>, %arg3: memref<128x128xf32, #tpu.memory_space<hbm>>, %arg4: memref<640x128xf32, #tpu.memory_space<hbm>>, %arg5: memref<2x10240x128xf32, #tpu.memory_space<hbm>>, %arg6: memref<10240x128xf32, #tpu.memory_space<vmem_shared>>, %arg7: memref<80x128xi32, #tpu.memory_space<vmem>>, %arg8: memref<128x128xf32, #tpu.memory_space<vmem>>, %arg9: memref<!tpu.dma_semaphore, #tpu.memory_space<semaphore_mem>>) attributes {dimension_semantics = [#tpu.dimension_semantics<core_parallel>, #tpu.dimension_semantics<subcore_parallel>], iteration_bounds = array<i64: 2, 16>, scalar_prefetch = 0 : i64, scratch_operands = 4 : i64, tpu.core_type = #tpu.core_type<sc_vector_subcore>, window_params = [{transform_indices = #map}, {transform_indices = #map1}, {transform_indices = #map1}, {transform_indices = #map}]} {
    %mul3A = arith.constant 16 : i32
    %mul3A_0 = arith.muli %arg0, %mul3A : i32
    %add3A = arith.addi %mul3A_0, %arg1 : i32
    %mul3A_1 = arith.constant 640 : i32
    %mul3A_2 = arith.muli %arg1, %mul3A_1 : i32
    "tpu.region"() ({
      %run_scoped3A = tpu.sem_alloc : memref<!tpu.dma_semaphore, #tpu.memory_space<semaphore_mem>>
      %dma_start3A = arith.constant 0 : i32
      %dma_start3A_12 = tpu.memref_slice %arg6[%mul3A_2, %dma_start3A] : memref<10240x128xf32, #tpu.memory_space<vmem_shared>> -> memref<640x128xf32, #tpu.memory_space<vmem_shared>>
      tpu.enqueue_dma source(%arg4 : memref<640x128xf32, #tpu.memory_space<hbm>>) target(%dma_start3A_12 : memref<640x128xf32, #tpu.memory_space<vmem_shared>>) target_semaphore(%run_scoped3A : memref<!tpu.dma_semaphore, #tpu.memory_space<semaphore_mem>>)
      %dma_wait3A = arith.constant 0 : i32
      %dma_wait3A_13 = tpu.memref_slice %arg6[%mul3A_2, %dma_wait3A] : memref<10240x128xf32, #tpu.memory_space<vmem_shared>> -> memref<640x128xf32, #tpu.memory_space<vmem_shared>>
      tpu.wait_dma2 semaphore(%run_scoped3A : memref<!tpu.dma_semaphore, #tpu.memory_space<semaphore_mem>>) src(%arg4 : memref<640x128xf32, #tpu.memory_space<hbm>>) dst(%dma_wait3A_13 : memref<640x128xf32, #tpu.memory_space<vmem_shared>>)
      tpu.yield
    }) : () -> ()
    "tpu.region"() ({
      %run_scoped3A = tpu.sem_alloc : memref<!tpu.dma_semaphore, #tpu.memory_space<semaphore_mem>>
      tpu.enqueue_dma source(%arg3 : memref<128x128xf32, #tpu.memory_space<hbm>>) target(%arg8 : memref<128x128xf32, #tpu.memory_space<vmem>>) target_semaphore(%run_scoped3A : memref<!tpu.dma_semaphore, #tpu.memory_space<semaphore_mem>>)
      tpu.wait_dma2 semaphore(%run_scoped3A : memref<!tpu.dma_semaphore, #tpu.memory_space<semaphore_mem>>) src(%arg3 : memref<128x128xf32, #tpu.memory_space<hbm>>) dst(%arg8 : memref<128x128xf32, #tpu.memory_space<vmem>>)
      tpu.yield
    }) : () -> ()
    "tpu.region"() ({
      %run_scoped3A = tpu.sem_alloc : memref<!tpu.dma_semaphore, #tpu.memory_space<semaphore_mem>>
      %dma_start3A = arith.constant 0 : i32
      %dma_start3A_12 = arith.constant 0 : i32
      %dma_start3A_13 = tpu.memref_slice %arg2[%add3A, %dma_start3A, %dma_start3A_12] : memref<32x80x128xi32, #tpu.memory_space<hbm>> -> memref<1x80x128xi32, #tpu.memory_space<hbm>>
      %dma_start3A_14 = tpu.memref_squeeze %dma_start3A_13 : memref<1x80x128xi32, #tpu.memory_space<hbm>> -> memref<80x128xi32, #tpu.memory_space<hbm>>
      %dma_start3A_15 = arith.constant 0 : i32
      %dma_start3A_16 = arith.constant 0 : i32
      %dma_start3A_17 = tpu.memref_slice %arg2[%add3A, %dma_start3A_15, %dma_start3A_16] : memref<32x80x128xi32, #tpu.memory_space<hbm>> -> memref<1x80x128xi32, #tpu.memory_space<hbm>>
      %dma_start3A_18 = tpu.memref_squeeze %dma_start3A_17 : memref<1x80x128xi32, #tpu.memory_space<hbm>> -> memref<80x128xi32, #tpu.memory_space<hbm>>
      tpu.enqueue_dma source(%dma_start3A_18 : memref<80x128xi32, #tpu.memory_space<hbm>>) target(%arg7 : memref<80x128xi32, #tpu.memory_space<vmem>>) target_semaphore(%run_scoped3A : memref<!tpu.dma_semaphore, #tpu.memory_space<semaphore_mem>>)
      %dma_wait3A = arith.constant 0 : i32
      %dma_wait3A_19 = arith.constant 0 : i32
      %dma_wait3A_20 = tpu.memref_slice %arg2[%add3A, %dma_wait3A, %dma_wait3A_19] : memref<32x80x128xi32, #tpu.memory_space<hbm>> -> memref<1x80x128xi32, #tpu.memory_space<hbm>>
      %dma_wait3A_21 = tpu.memref_squeeze %dma_wait3A_20 : memref<1x80x128xi32, #tpu.memory_space<hbm>> -> memref<80x128xi32, #tpu.memory_space<hbm>>
      %dma_wait3A_22 = arith.constant 0 : i32
      %dma_wait3A_23 = arith.constant 0 : i32
      %dma_wait3A_24 = tpu.memref_slice %arg2[%add3A, %dma_wait3A_22, %dma_wait3A_23] : memref<32x80x128xi32, #tpu.memory_space<hbm>> -> memref<1x80x128xi32, #tpu.memory_space<hbm>>
      %dma_wait3A_25 = tpu.memref_squeeze %dma_wait3A_24 : memref<1x80x128xi32, #tpu.memory_space<hbm>> -> memref<80x128xi32, #tpu.memory_space<hbm>>
      tpu.wait_dma2 semaphore(%run_scoped3A : memref<!tpu.dma_semaphore, #tpu.memory_space<semaphore_mem>>) src(%dma_wait3A_25 : memref<80x128xi32, #tpu.memory_space<hbm>>) dst(%arg7 : memref<80x128xi32, #tpu.memory_space<vmem>>)
      tpu.yield
    }) : () -> ()
    %barrier3A = arith.constant 0 : index
    tpu.barrier barrier_id(%barrier3A)
    %scan3A = arith.constant 0 : i32
    %scan3A_3 = arith.constant 80 : i32
    %scan3A_4 = arith.addi %scan3A, %scan3A_3 : i32
    %scan3A_5 = arith.constant 1 : i32
    scf.for %scan3A_12 = %scan3A to %scan3A_4 step %scan3A_5  : i32 {
      %mul3A_13 = arith.constant 1 : i32
      %mul3A_14 = arith.muli %scan3A_12, %mul3A_13 : i32
      %add3A_15 = arith.constant 0 : i32
      %add3A_16 = arith.addi %add3A_15, %mul3A_14 : i32
      "tpu.region"() ({
        %run_scoped3A = tpu.sem_alloc : memref<!tpu.dma_semaphore, #tpu.memory_space<semaphore_mem>>
        %dma_start3A = arith.constant 0 : i32
        %dma_start3A_17 = tpu.memref_slice %arg7[%add3A_16, %dma_start3A] : memref<80x128xi32, #tpu.memory_space<vmem>> -> memref<1x128xi32, #tpu.memory_space<vmem>>
        %dma_start3A_18 = tpu.memref_squeeze %dma_start3A_17 : memref<1x128xi32, #tpu.memory_space<vmem>> -> memref<128xi32, #tpu.memory_space<vmem>>
        %dma_start3A_19 = arith.constant 0 : i32
        %dma_start3A_20 = arith.constant 0 : i32
        %dma_start3A_21 = tpu.memref_slice %arg6[%dma_start3A_19, %dma_start3A_20] : memref<10240x128xf32, #tpu.memory_space<vmem_shared>> -> memref<10240x128xf32, #tpu.memory_space<vmem_shared>>
        tpu.enqueue_indirect_dma source(%arg8 : memref<128x128xf32, #tpu.memory_space<vmem>>) target(%dma_start3A_21 : memref<10240x128xf32, #tpu.memory_space<vmem_shared>>) offsets(%dma_start3A_18 : memref<128xi32, #tpu.memory_space<vmem>>) semaphore(%run_scoped3A : memref<!tpu.dma_semaphore, #tpu.memory_space<semaphore_mem>>) {add = true}
        %dma_wait3A = arith.constant 0 : i32
        %dma_wait3A_22 = tpu.memref_slice %arg7[%add3A_16, %dma_wait3A] : memref<80x128xi32, #tpu.memory_space<vmem>> -> memref<1x128xi32, #tpu.memory_space<vmem>>
        %dma_wait3A_23 = tpu.memref_squeeze %dma_wait3A_22 : memref<1x128xi32, #tpu.memory_space<vmem>> -> memref<128xi32, #tpu.memory_space<vmem>>
        %dma_wait3A_24 = arith.constant 0 : i32
        %dma_wait3A_25 = arith.constant 0 : i32
        %dma_wait3A_26 = tpu.memref_slice %arg6[%dma_wait3A_24, %dma_wait3A_25] : memref<10240x128xf32, #tpu.memory_space<vmem_shared>> -> memref<10240x128xf32, #tpu.memory_space<vmem_shared>>
        tpu.wait_indirect_dma semaphore(%run_scoped3A : memref<!tpu.dma_semaphore, #tpu.memory_space<semaphore_mem>>) src(%arg8 : memref<128x128xf32, #tpu.memory_space<vmem>>) dst(%dma_wait3A_26 : memref<10240x128xf32, #tpu.memory_space<vmem_shared>>)
        tpu.yield
      }) : () -> ()
    }
    %scan3A_6 = arith.constant 80 : i32
    %barrier3A_7 = arith.constant 0 : index
    tpu.barrier barrier_id(%barrier3A_7)
    %mul3A_8 = arith.constant 640 : i32
    %mul3A_9 = arith.muli %arg1, %mul3A_8 : i32
    %mul3A_10 = arith.constant 640 : i32
    %mul3A_11 = arith.muli %arg1, %mul3A_10 : i32
    "tpu.region"() ({
      %run_scoped3A = tpu.sem_alloc : memref<!tpu.dma_semaphore, #tpu.memory_space<semaphore_mem>>
      %dma_start3A = arith.constant 0 : i32
      %dma_start3A_12 = tpu.memref_slice %arg5[%arg0, %mul3A_11, %dma_start3A] : memref<2x10240x128xf32, #tpu.memory_space<hbm>> -> memref<1x640x128xf32, #tpu.memory_space<hbm>>
      %dma_start3A_13 = tpu.memref_squeeze %dma_start3A_12 : memref<1x640x128xf32, #tpu.memory_space<hbm>> -> memref<640x128xf32, #tpu.memory_space<hbm>>
      %dma_start3A_14 = arith.constant 0 : i32
      %dma_start3A_15 = tpu.memref_slice %arg6[%mul3A_9, %dma_start3A_14] : memref<10240x128xf32, #tpu.memory_space<vmem_shared>> -> memref<640x128xf32, #tpu.memory_space<vmem_shared>>
      tpu.enqueue_dma source(%dma_start3A_15 : memref<640x128xf32, #tpu.memory_space<vmem_shared>>) target(%dma_start3A_13 : memref<640x128xf32, #tpu.memory_space<hbm>>) target_semaphore(%run_scoped3A : memref<!tpu.dma_semaphore, #tpu.memory_space<semaphore_mem>>)
      %dma_wait3A = arith.constant 0 : i32
      %dma_wait3A_16 = tpu.memref_slice %arg5[%arg0, %mul3A_11, %dma_wait3A] : memref<2x10240x128xf32, #tpu.memory_space<hbm>> -> memref<1x640x128xf32, #tpu.memory_space<hbm>>
      %dma_wait3A_17 = tpu.memref_squeeze %dma_wait3A_16 : memref<1x640x128xf32, #tpu.memory_space<hbm>> -> memref<640x128xf32, #tpu.memory_space<hbm>>
      %dma_wait3A_18 = arith.constant 0 : i32
      %dma_wait3A_19 = tpu.memref_slice %arg6[%mul3A_9, %dma_wait3A_18] : memref<10240x128xf32, #tpu.memory_space<vmem_shared>> -> memref<640x128xf32, #tpu.memory_space<vmem_shared>>
      tpu.wait_dma2 semaphore(%run_scoped3A : memref<!tpu.dma_semaphore, #tpu.memory_space<semaphore_mem>>) src(%dma_wait3A_19 : memref<640x128xf32, #tpu.memory_space<vmem_shared>>) dst(%dma_wait3A_17 : memref<640x128xf32, #tpu.memory_space<hbm>>)
      tpu.yield
    }) : () -> ()
    return
  }
}

#map = affine_map<(d0, d1) -> (0, 0)>
#map1 = affine_map<(d0, d1) -> (0, 0, 0)>
module attributes {stable_mosaic.version = 14 : i64} {
  func.func @_segsum_kernel(%arg0: i32, %arg1: i32, %arg2: memref<10000x128xf32, #tpu.memory_space<hbm>>, %arg3: memref<32x160x64xi32, #tpu.memory_space<hbm>>, %arg4: memref<32x160x64xi32, #tpu.memory_space<hbm>>, %arg5: memref<640x128xf32, #tpu.memory_space<hbm>>, %arg6: memref<2x10240x128xf32, #tpu.memory_space<hbm>>, %arg7: memref<10240x128xf32, #tpu.memory_space<vmem_shared>>, %arg8: memref<80x64xi32, #tpu.memory_space<vmem>>, %arg9: memref<80x64xi32, #tpu.memory_space<vmem>>, %arg10: memref<64x128xf32, #tpu.memory_space<vmem>>, %arg11: memref<64x128xf32, #tpu.memory_space<vmem>>, %arg12: memref<!tpu.dma_semaphore, #tpu.memory_space<semaphore_mem>>, %arg13: memref<!tpu.dma_semaphore, #tpu.memory_space<semaphore_mem>>) attributes {dimension_semantics = [#tpu.dimension_semantics<core_parallel>, #tpu.dimension_semantics<subcore_parallel>], iteration_bounds = array<i64: 2, 16>, scalar_prefetch = 0 : i64, scratch_operands = 7 : i64, tpu.core_type = #tpu.core_type<sc_vector_subcore>, window_params = [{transform_indices = #map}, {transform_indices = #map1}, {transform_indices = #map1}, {transform_indices = #map}, {transform_indices = #map1}]} {
    %mul3A = arith.constant 16 : i32
    %mul3A_0 = arith.muli %arg0, %mul3A : i32
    %add3A = arith.addi %mul3A_0, %arg1 : i32
    %mul3A_1 = arith.constant 640 : i32
    %mul3A_2 = arith.muli %arg1, %mul3A_1 : i32
    "tpu.region"() ({
      %run_scoped3A = tpu.sem_alloc : memref<!tpu.dma_semaphore, #tpu.memory_space<semaphore_mem>>
      %dma_start3A_30 = arith.constant 0 : i32
      %dma_start3A_31 = tpu.memref_slice %arg7[%mul3A_2, %dma_start3A_30] : memref<10240x128xf32, #tpu.memory_space<vmem_shared>> -> memref<640x128xf32, #tpu.memory_space<vmem_shared>>
      tpu.enqueue_dma source(%arg5 : memref<640x128xf32, #tpu.memory_space<hbm>>) target(%dma_start3A_31 : memref<640x128xf32, #tpu.memory_space<vmem_shared>>) target_semaphore(%run_scoped3A : memref<!tpu.dma_semaphore, #tpu.memory_space<semaphore_mem>>)
      %dma_wait3A = arith.constant 0 : i32
      %dma_wait3A_32 = tpu.memref_slice %arg7[%mul3A_2, %dma_wait3A] : memref<10240x128xf32, #tpu.memory_space<vmem_shared>> -> memref<640x128xf32, #tpu.memory_space<vmem_shared>>
      tpu.wait_dma2 semaphore(%run_scoped3A : memref<!tpu.dma_semaphore, #tpu.memory_space<semaphore_mem>>) src(%arg5 : memref<640x128xf32, #tpu.memory_space<hbm>>) dst(%dma_wait3A_32 : memref<640x128xf32, #tpu.memory_space<vmem_shared>>)
      tpu.yield
    }) : () -> ()
    %barrier3A = arith.constant 0 : index
    tpu.barrier barrier_id(%barrier3A)
    "tpu.region"() ({
      %run_scoped3A = tpu.sem_alloc : memref<!tpu.dma_semaphore, #tpu.memory_space<semaphore_mem>>
      %dma_start3A_30 = arith.constant 0 : i32
      %dma_start3A_31 = arith.constant 0 : i32
      %dma_start3A_32 = tpu.memref_slice %arg3[%add3A, %dma_start3A_30, %dma_start3A_31] : memref<32x160x64xi32, #tpu.memory_space<hbm>> -> memref<1x80x64xi32, #tpu.memory_space<hbm>>
      %dma_start3A_33 = tpu.memref_squeeze %dma_start3A_32 : memref<1x80x64xi32, #tpu.memory_space<hbm>> -> memref<80x64xi32, #tpu.memory_space<hbm>>
      %dma_start3A_34 = arith.constant 0 : i32
      %dma_start3A_35 = arith.constant 0 : i32
      %dma_start3A_36 = tpu.memref_slice %arg3[%add3A, %dma_start3A_34, %dma_start3A_35] : memref<32x160x64xi32, #tpu.memory_space<hbm>> -> memref<1x80x64xi32, #tpu.memory_space<hbm>>
      %dma_start3A_37 = tpu.memref_squeeze %dma_start3A_36 : memref<1x80x64xi32, #tpu.memory_space<hbm>> -> memref<80x64xi32, #tpu.memory_space<hbm>>
      tpu.enqueue_dma source(%dma_start3A_37 : memref<80x64xi32, #tpu.memory_space<hbm>>) target(%arg8 : memref<80x64xi32, #tpu.memory_space<vmem>>) target_semaphore(%run_scoped3A : memref<!tpu.dma_semaphore, #tpu.memory_space<semaphore_mem>>)
      %dma_wait3A = arith.constant 0 : i32
      %dma_wait3A_38 = arith.constant 0 : i32
      %dma_wait3A_39 = tpu.memref_slice %arg3[%add3A, %dma_wait3A, %dma_wait3A_38] : memref<32x160x64xi32, #tpu.memory_space<hbm>> -> memref<1x80x64xi32, #tpu.memory_space<hbm>>
      %dma_wait3A_40 = tpu.memref_squeeze %dma_wait3A_39 : memref<1x80x64xi32, #tpu.memory_space<hbm>> -> memref<80x64xi32, #tpu.memory_space<hbm>>
      %dma_wait3A_41 = arith.constant 0 : i32
      %dma_wait3A_42 = arith.constant 0 : i32
      %dma_wait3A_43 = tpu.memref_slice %arg3[%add3A, %dma_wait3A_41, %dma_wait3A_42] : memref<32x160x64xi32, #tpu.memory_space<hbm>> -> memref<1x80x64xi32, #tpu.memory_space<hbm>>
      %dma_wait3A_44 = tpu.memref_squeeze %dma_wait3A_43 : memref<1x80x64xi32, #tpu.memory_space<hbm>> -> memref<80x64xi32, #tpu.memory_space<hbm>>
      tpu.wait_dma2 semaphore(%run_scoped3A : memref<!tpu.dma_semaphore, #tpu.memory_space<semaphore_mem>>) src(%dma_wait3A_44 : memref<80x64xi32, #tpu.memory_space<hbm>>) dst(%arg8 : memref<80x64xi32, #tpu.memory_space<vmem>>)
      tpu.yield
    }) : () -> ()
    "tpu.region"() ({
      %run_scoped3A = tpu.sem_alloc : memref<!tpu.dma_semaphore, #tpu.memory_space<semaphore_mem>>
      %dma_start3A_30 = arith.constant 0 : i32
      %dma_start3A_31 = arith.constant 0 : i32
      %dma_start3A_32 = tpu.memref_slice %arg4[%add3A, %dma_start3A_30, %dma_start3A_31] : memref<32x160x64xi32, #tpu.memory_space<hbm>> -> memref<1x80x64xi32, #tpu.memory_space<hbm>>
      %dma_start3A_33 = tpu.memref_squeeze %dma_start3A_32 : memref<1x80x64xi32, #tpu.memory_space<hbm>> -> memref<80x64xi32, #tpu.memory_space<hbm>>
      %dma_start3A_34 = arith.constant 0 : i32
      %dma_start3A_35 = arith.constant 0 : i32
      %dma_start3A_36 = tpu.memref_slice %arg4[%add3A, %dma_start3A_34, %dma_start3A_35] : memref<32x160x64xi32, #tpu.memory_space<hbm>> -> memref<1x80x64xi32, #tpu.memory_space<hbm>>
      %dma_start3A_37 = tpu.memref_squeeze %dma_start3A_36 : memref<1x80x64xi32, #tpu.memory_space<hbm>> -> memref<80x64xi32, #tpu.memory_space<hbm>>
      tpu.enqueue_dma source(%dma_start3A_37 : memref<80x64xi32, #tpu.memory_space<hbm>>) target(%arg9 : memref<80x64xi32, #tpu.memory_space<vmem>>) target_semaphore(%run_scoped3A : memref<!tpu.dma_semaphore, #tpu.memory_space<semaphore_mem>>)
      %dma_wait3A = arith.constant 0 : i32
      %dma_wait3A_38 = arith.constant 0 : i32
      %dma_wait3A_39 = tpu.memref_slice %arg4[%add3A, %dma_wait3A, %dma_wait3A_38] : memref<32x160x64xi32, #tpu.memory_space<hbm>> -> memref<1x80x64xi32, #tpu.memory_space<hbm>>
      %dma_wait3A_40 = tpu.memref_squeeze %dma_wait3A_39 : memref<1x80x64xi32, #tpu.memory_space<hbm>> -> memref<80x64xi32, #tpu.memory_space<hbm>>
      %dma_wait3A_41 = arith.constant 0 : i32
      %dma_wait3A_42 = arith.constant 0 : i32
      %dma_wait3A_43 = tpu.memref_slice %arg4[%add3A, %dma_wait3A_41, %dma_wait3A_42] : memref<32x160x64xi32, #tpu.memory_space<hbm>> -> memref<1x80x64xi32, #tpu.memory_space<hbm>>
      %dma_wait3A_44 = tpu.memref_squeeze %dma_wait3A_43 : memref<1x80x64xi32, #tpu.memory_space<hbm>> -> memref<80x64xi32, #tpu.memory_space<hbm>>
      tpu.wait_dma2 semaphore(%run_scoped3A : memref<!tpu.dma_semaphore, #tpu.memory_space<semaphore_mem>>) src(%dma_wait3A_44 : memref<80x64xi32, #tpu.memory_space<hbm>>) dst(%arg9 : memref<80x64xi32, #tpu.memory_space<vmem>>)
      tpu.yield
    }) : () -> ()
    %dma_start3A = arith.constant 0 : i32
    %dma_start3A_3 = arith.constant 0 : i32
    %dma_start3A_4 = tpu.memref_slice %arg8[%dma_start3A, %dma_start3A_3] : memref<80x64xi32, #tpu.memory_space<vmem>> -> memref<1x64xi32, #tpu.memory_space<vmem>>
    %dma_start3A_5 = tpu.memref_squeeze %dma_start3A_4 : memref<1x64xi32, #tpu.memory_space<vmem>> -> memref<64xi32, #tpu.memory_space<vmem>>
    %dma_start3A_6 = arith.constant 0 : i32
    %dma_start3A_7 = arith.constant 0 : i32
    %dma_start3A_8 = tpu.memref_slice %arg2[%dma_start3A_6, %dma_start3A_7] : memref<10000x128xf32, #tpu.memory_space<hbm>> -> memref<10000x128xf32, #tpu.memory_space<hbm>>
    tpu.enqueue_indirect_dma source(%dma_start3A_8 : memref<10000x128xf32, #tpu.memory_space<hbm>>) target(%arg10 : memref<64x128xf32, #tpu.memory_space<vmem>>) offsets(%dma_start3A_5 : memref<64xi32, #tpu.memory_space<vmem>>) semaphore(%arg12 : memref<!tpu.dma_semaphore, #tpu.memory_space<semaphore_mem>>)
    %scan3A = arith.constant 0 : i32
    %scan3A_9 = arith.constant 40 : i32
    %scan3A_10 = arith.addi %scan3A, %scan3A_9 : i32
    %scan3A_11 = arith.constant 1 : i32
    scf.for %scan3A_30 = %scan3A to %scan3A_10 step %scan3A_11  : i32 {
      %mul3A_31 = arith.constant 2 : i32
      %mul3A_32 = arith.muli %scan3A_30, %mul3A_31 : i32
      %add3A_33 = arith.constant 0 : i32
      %add3A_34 = arith.addi %add3A_33, %mul3A_32 : i32
      %add3A_35 = arith.constant 1 : i32
      %add3A_36 = arith.addi %add3A_34, %add3A_35 : i32
      %dma_start3A_37 = arith.constant 0 : i32
      %dma_start3A_38 = tpu.memref_slice %arg8[%add3A_36, %dma_start3A_37] : memref<80x64xi32, #tpu.memory_space<vmem>> -> memref<1x64xi32, #tpu.memory_space<vmem>>
      %dma_start3A_39 = tpu.memref_squeeze %dma_start3A_38 : memref<1x64xi32, #tpu.memory_space<vmem>> -> memref<64xi32, #tpu.memory_space<vmem>>
      %dma_start3A_40 = arith.constant 0 : i32
      %dma_start3A_41 = arith.constant 0 : i32
      %dma_start3A_42 = tpu.memref_slice %arg2[%dma_start3A_40, %dma_start3A_41] : memref<10000x128xf32, #tpu.memory_space<hbm>> -> memref<10000x128xf32, #tpu.memory_space<hbm>>
      tpu.enqueue_indirect_dma source(%dma_start3A_42 : memref<10000x128xf32, #tpu.memory_space<hbm>>) target(%arg11 : memref<64x128xf32, #tpu.memory_space<vmem>>) offsets(%dma_start3A_39 : memref<64xi32, #tpu.memory_space<vmem>>) semaphore(%arg13 : memref<!tpu.dma_semaphore, #tpu.memory_space<semaphore_mem>>)
      %dma_wait3A = arith.constant 0 : i32
      %dma_wait3A_43 = tpu.memref_slice %arg8[%add3A_34, %dma_wait3A] : memref<80x64xi32, #tpu.memory_space<vmem>> -> memref<1x64xi32, #tpu.memory_space<vmem>>
      %dma_wait3A_44 = tpu.memref_squeeze %dma_wait3A_43 : memref<1x64xi32, #tpu.memory_space<vmem>> -> memref<64xi32, #tpu.memory_space<vmem>>
      %dma_wait3A_45 = arith.constant 0 : i32
      %dma_wait3A_46 = arith.constant 0 : i32
      %dma_wait3A_47 = tpu.memref_slice %arg2[%dma_wait3A_45, %dma_wait3A_46] : memref<10000x128xf32, #tpu.memory_space<hbm>> -> memref<10000x128xf32, #tpu.memory_space<hbm>>
      tpu.wait_indirect_dma semaphore(%arg12 : memref<!tpu.dma_semaphore, #tpu.memory_space<semaphore_mem>>) src(%dma_wait3A_47 : memref<10000x128xf32, #tpu.memory_space<hbm>>) dst(%arg10 : memref<64x128xf32, #tpu.memory_space<vmem>>)
      "tpu.region"() ({
        %run_scoped3A = tpu.sem_alloc : memref<!tpu.dma_semaphore, #tpu.memory_space<semaphore_mem>>
        %dma_start3A_62 = arith.constant 0 : i32
        %dma_start3A_63 = tpu.memref_slice %arg9[%add3A_34, %dma_start3A_62] : memref<80x64xi32, #tpu.memory_space<vmem>> -> memref<1x64xi32, #tpu.memory_space<vmem>>
        %dma_start3A_64 = tpu.memref_squeeze %dma_start3A_63 : memref<1x64xi32, #tpu.memory_space<vmem>> -> memref<64xi32, #tpu.memory_space<vmem>>
        %dma_start3A_65 = arith.constant 0 : i32
        %dma_start3A_66 = arith.constant 0 : i32
        %dma_start3A_67 = tpu.memref_slice %arg7[%dma_start3A_65, %dma_start3A_66] : memref<10240x128xf32, #tpu.memory_space<vmem_shared>> -> memref<10240x128xf32, #tpu.memory_space<vmem_shared>>
        tpu.enqueue_indirect_dma source(%arg10 : memref<64x128xf32, #tpu.memory_space<vmem>>) target(%dma_start3A_67 : memref<10240x128xf32, #tpu.memory_space<vmem_shared>>) offsets(%dma_start3A_64 : memref<64xi32, #tpu.memory_space<vmem>>) semaphore(%run_scoped3A : memref<!tpu.dma_semaphore, #tpu.memory_space<semaphore_mem>>) {add = true}
        %dma_wait3A_68 = arith.constant 0 : i32
        %dma_wait3A_69 = tpu.memref_slice %arg9[%add3A_34, %dma_wait3A_68] : memref<80x64xi32, #tpu.memory_space<vmem>> -> memref<1x64xi32, #tpu.memory_space<vmem>>
        %dma_wait3A_70 = tpu.memref_squeeze %dma_wait3A_69 : memref<1x64xi32, #tpu.memory_space<vmem>> -> memref<64xi32, #tpu.memory_space<vmem>>
        %dma_wait3A_71 = arith.constant 0 : i32
        %dma_wait3A_72 = arith.constant 0 : i32
        %dma_wait3A_73 = tpu.memref_slice %arg7[%dma_wait3A_71, %dma_wait3A_72] : memref<10240x128xf32, #tpu.memory_space<vmem_shared>> -> memref<10240x128xf32, #tpu.memory_space<vmem_shared>>
        tpu.wait_indirect_dma semaphore(%run_scoped3A : memref<!tpu.dma_semaphore, #tpu.memory_space<semaphore_mem>>) src(%arg10 : memref<64x128xf32, #tpu.memory_space<vmem>>) dst(%dma_wait3A_73 : memref<10240x128xf32, #tpu.memory_space<vmem_shared>>)
        tpu.yield
      }) : () -> ()
      %add3A_48 = arith.constant 2 : i32
      %add3A_49 = arith.addi %add3A_34, %add3A_48 : i32
      %lt3A = arith.constant 80 : i32
      %lt3A_50 = arith.cmpi slt, %add3A_49, %lt3A : i32
      %convert_element_type3A = arith.extui %lt3A_50 : i1 to i32
      %cond3A = arith.constant 0 : i32
      %cond3A_51 = arith.cmpi ne, %convert_element_type3A, %cond3A : i32
      scf.if %cond3A_51 {
        %add3A_62 = arith.constant 2 : i32
        %add3A_63 = arith.addi %add3A_34, %add3A_62 : i32
        %dma_start3A_64 = arith.constant 0 : i32
        %dma_start3A_65 = tpu.memref_slice %arg8[%add3A_63, %dma_start3A_64] : memref<80x64xi32, #tpu.memory_space<vmem>> -> memref<1x64xi32, #tpu.memory_space<vmem>>
        %dma_start3A_66 = tpu.memref_squeeze %dma_start3A_65 : memref<1x64xi32, #tpu.memory_space<vmem>> -> memref<64xi32, #tpu.memory_space<vmem>>
        %dma_start3A_67 = arith.constant 0 : i32
        %dma_start3A_68 = arith.constant 0 : i32
        %dma_start3A_69 = tpu.memref_slice %arg2[%dma_start3A_67, %dma_start3A_68] : memref<10000x128xf32, #tpu.memory_space<hbm>> -> memref<10000x128xf32, #tpu.memory_space<hbm>>
        tpu.enqueue_indirect_dma source(%dma_start3A_69 : memref<10000x128xf32, #tpu.memory_space<hbm>>) target(%arg10 : memref<64x128xf32, #tpu.memory_space<vmem>>) offsets(%dma_start3A_66 : memref<64xi32, #tpu.memory_space<vmem>>) semaphore(%arg12 : memref<!tpu.dma_semaphore, #tpu.memory_space<semaphore_mem>>)
      } else {
      }
      %add3A_52 = arith.constant 1 : i32
      %add3A_53 = arith.addi %add3A_34, %add3A_52 : i32
      %dma_wait3A_54 = arith.constant 0 : i32
      %dma_wait3A_55 = tpu.memref_slice %arg8[%add3A_53, %dma_wait3A_54] : memref<80x64xi32, #tpu.memory_space<vmem>> -> memref<1x64xi32, #tpu.memory_space<vmem>>
      %dma_wait3A_56 = tpu.memref_squeeze %dma_wait3A_55 : memref<1x64xi32, #tpu.memory_space<vmem>> -> memref<64xi32, #tpu.memory_space<vmem>>
      %dma_wait3A_57 = arith.constant 0 : i32
      %dma_wait3A_58 = arith.constant 0 : i32
      %dma_wait3A_59 = tpu.memref_slice %arg2[%dma_wait3A_57, %dma_wait3A_58] : memref<10000x128xf32, #tpu.memory_space<hbm>> -> memref<10000x128xf32, #tpu.memory_space<hbm>>
      tpu.wait_indirect_dma semaphore(%arg13 : memref<!tpu.dma_semaphore, #tpu.memory_space<semaphore_mem>>) src(%dma_wait3A_59 : memref<10000x128xf32, #tpu.memory_space<hbm>>) dst(%arg11 : memref<64x128xf32, #tpu.memory_space<vmem>>)
      %add3A_60 = arith.constant 1 : i32
      %add3A_61 = arith.addi %add3A_34, %add3A_60 : i32
      "tpu.region"() ({
        %run_scoped3A = tpu.sem_alloc : memref<!tpu.dma_semaphore, #tpu.memory_space<semaphore_mem>>
        %dma_start3A_62 = arith.constant 0 : i32
        %dma_start3A_63 = tpu.memref_slice %arg9[%add3A_61, %dma_start3A_62] : memref<80x64xi32, #tpu.memory_space<vmem>> -> memref<1x64xi32, #tpu.memory_space<vmem>>
        %dma_start3A_64 = tpu.memref_squeeze %dma_start3A_63 : memref<1x64xi32, #tpu.memory_space<vmem>> -> memref<64xi32, #tpu.memory_space<vmem>>
        %dma_start3A_65 = arith.constant 0 : i32
        %dma_start3A_66 = arith.constant 0 : i32
        %dma_start3A_67 = tpu.memref_slice %arg7[%dma_start3A_65, %dma_start3A_66] : memref<10240x128xf32, #tpu.memory_space<vmem_shared>> -> memref<10240x128xf32, #tpu.memory_space<vmem_shared>>
        tpu.enqueue_indirect_dma source(%arg11 : memref<64x128xf32, #tpu.memory_space<vmem>>) target(%dma_start3A_67 : memref<10240x128xf32, #tpu.memory_space<vmem_shared>>) offsets(%dma_start3A_64 : memref<64xi32, #tpu.memory_space<vmem>>) semaphore(%run_scoped3A : memref<!tpu.dma_semaphore, #tpu.memory_space<semaphore_mem>>) {add = true}
        %dma_wait3A_68 = arith.constant 0 : i32
        %dma_wait3A_69 = tpu.memref_slice %arg9[%add3A_61, %dma_wait3A_68] : memref<80x64xi32, #tpu.memory_space<vmem>> -> memref<1x64xi32, #tpu.memory_space<vmem>>
        %dma_wait3A_70 = tpu.memref_squeeze %dma_wait3A_69 : memref<1x64xi32, #tpu.memory_space<vmem>> -> memref<64xi32, #tpu.memory_space<vmem>>
        %dma_wait3A_71 = arith.constant 0 : i32
        %dma_wait3A_72 = arith.constant 0 : i32
        %dma_wait3A_73 = tpu.memref_slice %arg7[%dma_wait3A_71, %dma_wait3A_72] : memref<10240x128xf32, #tpu.memory_space<vmem_shared>> -> memref<10240x128xf32, #tpu.memory_space<vmem_shared>>
        tpu.wait_indirect_dma semaphore(%run_scoped3A : memref<!tpu.dma_semaphore, #tpu.memory_space<semaphore_mem>>) src(%arg11 : memref<64x128xf32, #tpu.memory_space<vmem>>) dst(%dma_wait3A_73 : memref<10240x128xf32, #tpu.memory_space<vmem_shared>>)
        tpu.yield
      }) : () -> ()
    }
    %scan3A_12 = arith.constant 40 : i32
    "tpu.region"() ({
      %run_scoped3A = tpu.sem_alloc : memref<!tpu.dma_semaphore, #tpu.memory_space<semaphore_mem>>
      %dma_start3A_30 = arith.constant 80 : i32
      %dma_start3A_31 = arith.constant 0 : i32
      %dma_start3A_32 = tpu.memref_slice %arg3[%add3A, %dma_start3A_30, %dma_start3A_31] : memref<32x160x64xi32, #tpu.memory_space<hbm>> -> memref<1x80x64xi32, #tpu.memory_space<hbm>>
      %dma_start3A_33 = tpu.memref_squeeze %dma_start3A_32 : memref<1x80x64xi32, #tpu.memory_space<hbm>> -> memref<80x64xi32, #tpu.memory_space<hbm>>
      %dma_start3A_34 = arith.constant 80 : i32
      %dma_start3A_35 = arith.constant 0 : i32
      %dma_start3A_36 = tpu.memref_slice %arg3[%add3A, %dma_start3A_34, %dma_start3A_35] : memref<32x160x64xi32, #tpu.memory_space<hbm>> -> memref<1x80x64xi32, #tpu.memory_space<hbm>>
      %dma_start3A_37 = tpu.memref_squeeze %dma_start3A_36 : memref<1x80x64xi32, #tpu.memory_space<hbm>> -> memref<80x64xi32, #tpu.memory_space<hbm>>
      tpu.enqueue_dma source(%dma_start3A_37 : memref<80x64xi32, #tpu.memory_space<hbm>>) target(%arg8 : memref<80x64xi32, #tpu.memory_space<vmem>>) target_semaphore(%run_scoped3A : memref<!tpu.dma_semaphore, #tpu.memory_space<semaphore_mem>>)
      %dma_wait3A = arith.constant 80 : i32
      %dma_wait3A_38 = arith.constant 0 : i32
      %dma_wait3A_39 = tpu.memref_slice %arg3[%add3A, %dma_wait3A, %dma_wait3A_38] : memref<32x160x64xi32, #tpu.memory_space<hbm>> -> memref<1x80x64xi32, #tpu.memory_space<hbm>>
      %dma_wait3A_40 = tpu.memref_squeeze %dma_wait3A_39 : memref<1x80x64xi32, #tpu.memory_space<hbm>> -> memref<80x64xi32, #tpu.memory_space<hbm>>
      %dma_wait3A_41 = arith.constant 80 : i32
      %dma_wait3A_42 = arith.constant 0 : i32
      %dma_wait3A_43 = tpu.memref_slice %arg3[%add3A, %dma_wait3A_41, %dma_wait3A_42] : memref<32x160x64xi32, #tpu.memory_space<hbm>> -> memref<1x80x64xi32, #tpu.memory_space<hbm>>
      %dma_wait3A_44 = tpu.memref_squeeze %dma_wait3A_43 : memref<1x80x64xi32, #tpu.memory_space<hbm>> -> memref<80x64xi32, #tpu.memory_space<hbm>>
      tpu.wait_dma2 semaphore(%run_scoped3A : memref<!tpu.dma_semaphore, #tpu.memory_space<semaphore_mem>>) src(%dma_wait3A_44 : memref<80x64xi32, #tpu.memory_space<hbm>>) dst(%arg8 : memref<80x64xi32, #tpu.memory_space<vmem>>)
      tpu.yield
    }) : () -> ()
    "tpu.region"() ({
      %run_scoped3A = tpu.sem_alloc : memref<!tpu.dma_semaphore, #tpu.memory_space<semaphore_mem>>
      %dma_start3A_30 = arith.constant 80 : i32
      %dma_start3A_31 = arith.constant 0 : i32
      %dma_start3A_32 = tpu.memref_slice %arg4[%add3A, %dma_start3A_30, %dma_start3A_31] : memref<32x160x64xi32, #tpu.memory_space<hbm>> -> memref<1x80x64xi32, #tpu.memory_space<hbm>>
      %dma_start3A_33 = tpu.memref_squeeze %dma_start3A_32 : memref<1x80x64xi32, #tpu.memory_space<hbm>> -> memref<80x64xi32, #tpu.memory_space<hbm>>
      %dma_start3A_34 = arith.constant 80 : i32
      %dma_start3A_35 = arith.constant 0 : i32
      %dma_start3A_36 = tpu.memref_slice %arg4[%add3A, %dma_start3A_34, %dma_start3A_35] : memref<32x160x64xi32, #tpu.memory_space<hbm>> -> memref<1x80x64xi32, #tpu.memory_space<hbm>>
      %dma_start3A_37 = tpu.memref_squeeze %dma_start3A_36 : memref<1x80x64xi32, #tpu.memory_space<hbm>> -> memref<80x64xi32, #tpu.memory_space<hbm>>
      tpu.enqueue_dma source(%dma_start3A_37 : memref<80x64xi32, #tpu.memory_space<hbm>>) target(%arg9 : memref<80x64xi32, #tpu.memory_space<vmem>>) target_semaphore(%run_scoped3A : memref<!tpu.dma_semaphore, #tpu.memory_space<semaphore_mem>>)
      %dma_wait3A = arith.constant 80 : i32
      %dma_wait3A_38 = arith.constant 0 : i32
      %dma_wait3A_39 = tpu.memref_slice %arg4[%add3A, %dma_wait3A, %dma_wait3A_38] : memref<32x160x64xi32, #tpu.memory_space<hbm>> -> memref<1x80x64xi32, #tpu.memory_space<hbm>>
      %dma_wait3A_40 = tpu.memref_squeeze %dma_wait3A_39 : memref<1x80x64xi32, #tpu.memory_space<hbm>> -> memref<80x64xi32, #tpu.memory_space<hbm>>
      %dma_wait3A_41 = arith.constant 80 : i32
      %dma_wait3A_42 = arith.constant 0 : i32
      %dma_wait3A_43 = tpu.memref_slice %arg4[%add3A, %dma_wait3A_41, %dma_wait3A_42] : memref<32x160x64xi32, #tpu.memory_space<hbm>> -> memref<1x80x64xi32, #tpu.memory_space<hbm>>
      %dma_wait3A_44 = tpu.memref_squeeze %dma_wait3A_43 : memref<1x80x64xi32, #tpu.memory_space<hbm>> -> memref<80x64xi32, #tpu.memory_space<hbm>>
      tpu.wait_dma2 semaphore(%run_scoped3A : memref<!tpu.dma_semaphore, #tpu.memory_space<semaphore_mem>>) src(%dma_wait3A_44 : memref<80x64xi32, #tpu.memory_space<hbm>>) dst(%arg9 : memref<80x64xi32, #tpu.memory_space<vmem>>)
      tpu.yield
    }) : () -> ()
    %dma_start3A_13 = arith.constant 0 : i32
    %dma_start3A_14 = arith.constant 0 : i32
    %dma_start3A_15 = tpu.memref_slice %arg8[%dma_start3A_13, %dma_start3A_14] : memref<80x64xi32, #tpu.memory_space<vmem>> -> memref<1x64xi32, #tpu.memory_space<vmem>>
    %dma_start3A_16 = tpu.memref_squeeze %dma_start3A_15 : memref<1x64xi32, #tpu.memory_space<vmem>> -> memref<64xi32, #tpu.memory_space<vmem>>
    %dma_start3A_17 = arith.constant 0 : i32
    %dma_start3A_18 = arith.constant 0 : i32
    %dma_start3A_19 = tpu.memref_slice %arg2[%dma_start3A_17, %dma_start3A_18] : memref<10000x128xf32, #tpu.memory_space<hbm>> -> memref<10000x128xf32, #tpu.memory_space<hbm>>
    tpu.enqueue_indirect_dma source(%dma_start3A_19 : memref<10000x128xf32, #tpu.memory_space<hbm>>) target(%arg10 : memref<64x128xf32, #tpu.memory_space<vmem>>) offsets(%dma_start3A_16 : memref<64xi32, #tpu.memory_space<vmem>>) semaphore(%arg12 : memref<!tpu.dma_semaphore, #tpu.memory_space<semaphore_mem>>)
    %scan3A_20 = arith.constant 0 : i32
    %scan3A_21 = arith.constant 40 : i32
    %scan3A_22 = arith.addi %scan3A_20, %scan3A_21 : i32
    %scan3A_23 = arith.constant 1 : i32
    scf.for %scan3A_30 = %scan3A_20 to %scan3A_22 step %scan3A_23  : i32 {
      %mul3A_31 = arith.constant 2 : i32
      %mul3A_32 = arith.muli %scan3A_30, %mul3A_31 : i32
      %add3A_33 = arith.constant 0 : i32
      %add3A_34 = arith.addi %add3A_33, %mul3A_32 : i32
      %add3A_35 = arith.constant 1 : i32
      %add3A_36 = arith.addi %add3A_34, %add3A_35 : i32
      %dma_start3A_37 = arith.constant 0 : i32
      %dma_start3A_38 = tpu.memref_slice %arg8[%add3A_36, %dma_start3A_37] : memref<80x64xi32, #tpu.memory_space<vmem>> -> memref<1x64xi32, #tpu.memory_space<vmem>>
      %dma_start3A_39 = tpu.memref_squeeze %dma_start3A_38 : memref<1x64xi32, #tpu.memory_space<vmem>> -> memref<64xi32, #tpu.memory_space<vmem>>
      %dma_start3A_40 = arith.constant 0 : i32
      %dma_start3A_41 = arith.constant 0 : i32
      %dma_start3A_42 = tpu.memref_slice %arg2[%dma_start3A_40, %dma_start3A_41] : memref<10000x128xf32, #tpu.memory_space<hbm>> -> memref<10000x128xf32, #tpu.memory_space<hbm>>
      tpu.enqueue_indirect_dma source(%dma_start3A_42 : memref<10000x128xf32, #tpu.memory_space<hbm>>) target(%arg11 : memref<64x128xf32, #tpu.memory_space<vmem>>) offsets(%dma_start3A_39 : memref<64xi32, #tpu.memory_space<vmem>>) semaphore(%arg13 : memref<!tpu.dma_semaphore, #tpu.memory_space<semaphore_mem>>)
      %dma_wait3A = arith.constant 0 : i32
      %dma_wait3A_43 = tpu.memref_slice %arg8[%add3A_34, %dma_wait3A] : memref<80x64xi32, #tpu.memory_space<vmem>> -> memref<1x64xi32, #tpu.memory_space<vmem>>
      %dma_wait3A_44 = tpu.memref_squeeze %dma_wait3A_43 : memref<1x64xi32, #tpu.memory_space<vmem>> -> memref<64xi32, #tpu.memory_space<vmem>>
      %dma_wait3A_45 = arith.constant 0 : i32
      %dma_wait3A_46 = arith.constant 0 : i32
      %dma_wait3A_47 = tpu.memref_slice %arg2[%dma_wait3A_45, %dma_wait3A_46] : memref<10000x128xf32, #tpu.memory_space<hbm>> -> memref<10000x128xf32, #tpu.memory_space<hbm>>
      tpu.wait_indirect_dma semaphore(%arg12 : memref<!tpu.dma_semaphore, #tpu.memory_space<semaphore_mem>>) src(%dma_wait3A_47 : memref<10000x128xf32, #tpu.memory_space<hbm>>) dst(%arg10 : memref<64x128xf32, #tpu.memory_space<vmem>>)
      "tpu.region"() ({
        %run_scoped3A = tpu.sem_alloc : memref<!tpu.dma_semaphore, #tpu.memory_space<semaphore_mem>>
        %dma_start3A_62 = arith.constant 0 : i32
        %dma_start3A_63 = tpu.memref_slice %arg9[%add3A_34, %dma_start3A_62] : memref<80x64xi32, #tpu.memory_space<vmem>> -> memref<1x64xi32, #tpu.memory_space<vmem>>
        %dma_start3A_64 = tpu.memref_squeeze %dma_start3A_63 : memref<1x64xi32, #tpu.memory_space<vmem>> -> memref<64xi32, #tpu.memory_space<vmem>>
        %dma_start3A_65 = arith.constant 0 : i32
        %dma_start3A_66 = arith.constant 0 : i32
        %dma_start3A_67 = tpu.memref_slice %arg7[%dma_start3A_65, %dma_start3A_66] : memref<10240x128xf32, #tpu.memory_space<vmem_shared>> -> memref<10240x128xf32, #tpu.memory_space<vmem_shared>>
        tpu.enqueue_indirect_dma source(%arg10 : memref<64x128xf32, #tpu.memory_space<vmem>>) target(%dma_start3A_67 : memref<10240x128xf32, #tpu.memory_space<vmem_shared>>) offsets(%dma_start3A_64 : memref<64xi32, #tpu.memory_space<vmem>>) semaphore(%run_scoped3A : memref<!tpu.dma_semaphore, #tpu.memory_space<semaphore_mem>>) {add = true}
        %dma_wait3A_68 = arith.constant 0 : i32
        %dma_wait3A_69 = tpu.memref_slice %arg9[%add3A_34, %dma_wait3A_68] : memref<80x64xi32, #tpu.memory_space<vmem>> -> memref<1x64xi32, #tpu.memory_space<vmem>>
        %dma_wait3A_70 = tpu.memref_squeeze %dma_wait3A_69 : memref<1x64xi32, #tpu.memory_space<vmem>> -> memref<64xi32, #tpu.memory_space<vmem>>
        %dma_wait3A_71 = arith.constant 0 : i32
        %dma_wait3A_72 = arith.constant 0 : i32
        %dma_wait3A_73 = tpu.memref_slice %arg7[%dma_wait3A_71, %dma_wait3A_72] : memref<10240x128xf32, #tpu.memory_space<vmem_shared>> -> memref<10240x128xf32, #tpu.memory_space<vmem_shared>>
        tpu.wait_indirect_dma semaphore(%run_scoped3A : memref<!tpu.dma_semaphore, #tpu.memory_space<semaphore_mem>>) src(%arg10 : memref<64x128xf32, #tpu.memory_space<vmem>>) dst(%dma_wait3A_73 : memref<10240x128xf32, #tpu.memory_space<vmem_shared>>)
        tpu.yield
      }) : () -> ()
      %add3A_48 = arith.constant 2 : i32
      %add3A_49 = arith.addi %add3A_34, %add3A_48 : i32
      %lt3A = arith.constant 80 : i32
      %lt3A_50 = arith.cmpi slt, %add3A_49, %lt3A : i32
      %convert_element_type3A = arith.extui %lt3A_50 : i1 to i32
      %cond3A = arith.constant 0 : i32
      %cond3A_51 = arith.cmpi ne, %convert_element_type3A, %cond3A : i32
      scf.if %cond3A_51 {
        %add3A_62 = arith.constant 2 : i32
        %add3A_63 = arith.addi %add3A_34, %add3A_62 : i32
        %dma_start3A_64 = arith.constant 0 : i32
        %dma_start3A_65 = tpu.memref_slice %arg8[%add3A_63, %dma_start3A_64] : memref<80x64xi32, #tpu.memory_space<vmem>> -> memref<1x64xi32, #tpu.memory_space<vmem>>
        %dma_start3A_66 = tpu.memref_squeeze %dma_start3A_65 : memref<1x64xi32, #tpu.memory_space<vmem>> -> memref<64xi32, #tpu.memory_space<vmem>>
        %dma_start3A_67 = arith.constant 0 : i32
        %dma_start3A_68 = arith.constant 0 : i32
        %dma_start3A_69 = tpu.memref_slice %arg2[%dma_start3A_67, %dma_start3A_68] : memref<10000x128xf32, #tpu.memory_space<hbm>> -> memref<10000x128xf32, #tpu.memory_space<hbm>>
        tpu.enqueue_indirect_dma source(%dma_start3A_69 : memref<10000x128xf32, #tpu.memory_space<hbm>>) target(%arg10 : memref<64x128xf32, #tpu.memory_space<vmem>>) offsets(%dma_start3A_66 : memref<64xi32, #tpu.memory_space<vmem>>) semaphore(%arg12 : memref<!tpu.dma_semaphore, #tpu.memory_space<semaphore_mem>>)
      } else {
      }
      %add3A_52 = arith.constant 1 : i32
      %add3A_53 = arith.addi %add3A_34, %add3A_52 : i32
      %dma_wait3A_54 = arith.constant 0 : i32
      %dma_wait3A_55 = tpu.memref_slice %arg8[%add3A_53, %dma_wait3A_54] : memref<80x64xi32, #tpu.memory_space<vmem>> -> memref<1x64xi32, #tpu.memory_space<vmem>>
      %dma_wait3A_56 = tpu.memref_squeeze %dma_wait3A_55 : memref<1x64xi32, #tpu.memory_space<vmem>> -> memref<64xi32, #tpu.memory_space<vmem>>
      %dma_wait3A_57 = arith.constant 0 : i32
      %dma_wait3A_58 = arith.constant 0 : i32
      %dma_wait3A_59 = tpu.memref_slice %arg2[%dma_wait3A_57, %dma_wait3A_58] : memref<10000x128xf32, #tpu.memory_space<hbm>> -> memref<10000x128xf32, #tpu.memory_space<hbm>>
      tpu.wait_indirect_dma semaphore(%arg13 : memref<!tpu.dma_semaphore, #tpu.memory_space<semaphore_mem>>) src(%dma_wait3A_59 : memref<10000x128xf32, #tpu.memory_space<hbm>>) dst(%arg11 : memref<64x128xf32, #tpu.memory_space<vmem>>)
      %add3A_60 = arith.constant 1 : i32
      %add3A_61 = arith.addi %add3A_34, %add3A_60 : i32
      "tpu.region"() ({
        %run_scoped3A = tpu.sem_alloc : memref<!tpu.dma_semaphore, #tpu.memory_space<semaphore_mem>>
        %dma_start3A_62 = arith.constant 0 : i32
        %dma_start3A_63 = tpu.memref_slice %arg9[%add3A_61, %dma_start3A_62] : memref<80x64xi32, #tpu.memory_space<vmem>> -> memref<1x64xi32, #tpu.memory_space<vmem>>
        %dma_start3A_64 = tpu.memref_squeeze %dma_start3A_63 : memref<1x64xi32, #tpu.memory_space<vmem>> -> memref<64xi32, #tpu.memory_space<vmem>>
        %dma_start3A_65 = arith.constant 0 : i32
        %dma_start3A_66 = arith.constant 0 : i32
        %dma_start3A_67 = tpu.memref_slice %arg7[%dma_start3A_65, %dma_start3A_66] : memref<10240x128xf32, #tpu.memory_space<vmem_shared>> -> memref<10240x128xf32, #tpu.memory_space<vmem_shared>>
        tpu.enqueue_indirect_dma source(%arg11 : memref<64x128xf32, #tpu.memory_space<vmem>>) target(%dma_start3A_67 : memref<10240x128xf32, #tpu.memory_space<vmem_shared>>) offsets(%dma_start3A_64 : memref<64xi32, #tpu.memory_space<vmem>>) semaphore(%run_scoped3A : memref<!tpu.dma_semaphore, #tpu.memory_space<semaphore_mem>>) {add = true}
        %dma_wait3A_68 = arith.constant 0 : i32
        %dma_wait3A_69 = tpu.memref_slice %arg9[%add3A_61, %dma_wait3A_68] : memref<80x64xi32, #tpu.memory_space<vmem>> -> memref<1x64xi32, #tpu.memory_space<vmem>>
        %dma_wait3A_70 = tpu.memref_squeeze %dma_wait3A_69 : memref<1x64xi32, #tpu.memory_space<vmem>> -> memref<64xi32, #tpu.memory_space<vmem>>
        %dma_wait3A_71 = arith.constant 0 : i32
        %dma_wait3A_72 = arith.constant 0 : i32
        %dma_wait3A_73 = tpu.memref_slice %arg7[%dma_wait3A_71, %dma_wait3A_72] : memref<10240x128xf32, #tpu.memory_space<vmem_shared>> -> memref<10240x128xf32, #tpu.memory_space<vmem_shared>>
        tpu.wait_indirect_dma semaphore(%run_scoped3A : memref<!tpu.dma_semaphore, #tpu.memory_space<semaphore_mem>>) src(%arg11 : memref<64x128xf32, #tpu.memory_space<vmem>>) dst(%dma_wait3A_73 : memref<10240x128xf32, #tpu.memory_space<vmem_shared>>)
        tpu.yield
      }) : () -> ()
    }
    %scan3A_24 = arith.constant 40 : i32
    %barrier3A_25 = arith.constant 0 : index
    tpu.barrier barrier_id(%barrier3A_25)
    %mul3A_26 = arith.constant 640 : i32
    %mul3A_27 = arith.muli %arg1, %mul3A_26 : i32
    %mul3A_28 = arith.constant 640 : i32
    %mul3A_29 = arith.muli %arg1, %mul3A_28 : i32
    "tpu.region"() ({
      %run_scoped3A = tpu.sem_alloc : memref<!tpu.dma_semaphore, #tpu.memory_space<semaphore_mem>>
      %dma_start3A_30 = arith.constant 0 : i32
      %dma_start3A_31 = tpu.memref_slice %arg6[%arg0, %mul3A_29, %dma_start3A_30] : memref<2x10240x128xf32, #tpu.memory_space<hbm>> -> memref<1x640x128xf32, #tpu.memory_space<hbm>>
      %dma_start3A_32 = tpu.memref_squeeze %dma_start3A_31 : memref<1x640x128xf32, #tpu.memory_space<hbm>> -> memref<640x128xf32, #tpu.memory_space<hbm>>
      %dma_start3A_33 = arith.constant 0 : i32
      %dma_start3A_34 = tpu.memref_slice %arg7[%mul3A_27, %dma_start3A_33] : memref<10240x128xf32, #tpu.memory_space<vmem_shared>> -> memref<640x128xf32, #tpu.memory_space<vmem_shared>>
      tpu.enqueue_dma source(%dma_start3A_34 : memref<640x128xf32, #tpu.memory_space<vmem_shared>>) target(%dma_start3A_32 : memref<640x128xf32, #tpu.memory_space<hbm>>) target_semaphore(%run_scoped3A : memref<!tpu.dma_semaphore, #tpu.memory_space<semaphore_mem>>)
      %dma_wait3A = arith.constant 0 : i32
      %dma_wait3A_35 = tpu.memref_slice %arg6[%arg0, %mul3A_29, %dma_wait3A] : memref<2x10240x128xf32, #tpu.memory_space<hbm>> -> memref<1x640x128xf32, #tpu.memory_space<hbm>>
      %dma_wait3A_36 = tpu.memref_squeeze %dma_wait3A_35 : memref<1x640x128xf32, #tpu.memory_space<hbm>> -> memref<640x128xf32, #tpu.memory_space<hbm>>
      %dma_wait3A_37 = arith.constant 0 : i32
      %dma_wait3A_38 = tpu.memref_slice %arg7[%mul3A_27, %dma_wait3A_37] : memref<10240x128xf32, #tpu.memory_space<vmem_shared>> -> memref<640x128xf32, #tpu.memory_space<vmem_shared>>
      tpu.wait_dma2 semaphore(%run_scoped3A : memref<!tpu.dma_semaphore, #tpu.memory_space<semaphore_mem>>) src(%dma_wait3A_38 : memref<640x128xf32, #tpu.memory_space<vmem_shared>>) dst(%dma_wait3A_36 : memref<640x128xf32, #tpu.memory_space<hbm>>)
      tpu.yield
    }) : () -> ()
    return
  }
}

module attributes {stable_mosaic.version = 14 : i64} {
  func.func @_mm1_body(%arg0: i32, %arg1: memref<1000x128xf32, #tpu.memory_space<vmem>>, %arg2: memref<128x64xf32, #tpu.memory_space<vmem>>, %arg3: memref<64xf32, #tpu.memory_space<vmem>>, %arg4: memref<64x64xf32, #tpu.memory_space<vmem>>, %arg5: memref<1000x64xf32, #tpu.memory_space<vmem>>) attributes {dimension_semantics = [#tpu.dimension_semantics<arbitrary>], iteration_bounds = array<i64: 10>, scalar_prefetch = 0 : i64, scratch_operands = 0 : i64, tpu.core_type = #tpu.core_type<tc>, window_params = [{transform_indices = @transform_0, window_bounds = array<i64: 1000, 128>}, {pipeline_mode = #tpu.pipeline_mode<synchronous>, transform_indices = @transform_1, window_bounds = array<i64: 128, 64>}, {pipeline_mode = #tpu.pipeline_mode<synchronous>, transform_indices = @transform_2, window_bounds = array<i64: 64>}, {pipeline_mode = #tpu.pipeline_mode<synchronous>, transform_indices = @transform_3, window_bounds = array<i64: 64, 64>}, {transform_indices = @transform_4, window_bounds = array<i64: 1000, 64>}]} {
    %get3A = arith.constant 0 : index
    %get3A_0 = arith.constant 0 : index
    %get3A_1 = vector.load %arg1[%get3A, %get3A_0] : memref<1000x128xf32, #tpu.memory_space<vmem>>, vector<1000x128xf32>
    %get3A_2 = arith.constant 0 : index
    %get3A_3 = arith.constant 0 : index
    %get3A_4 = vector.load %arg2[%get3A_2, %get3A_3] : memref<128x64xf32, #tpu.memory_space<vmem>>, vector<128x64xf32>
    %dot_general3A = arith.constant dense<0.000000e+00> : vector<1000x64xf32>
    %dot_general3A_5 = tpu.matmul %get3A_1, %get3A_4, %dot_general3A {dimension_numbers = #tpu.dot_dimension_numbers<[1], [0], [0], [1], [0, 0, 1, 1], [], []>, transpose_lhs_hint = false} : vector<1000x128xf32>, vector<128x64xf32>, vector<1000x64xf32> -> vector<1000x64xf32>
    %get3A_6 = arith.constant 0 : index
    %get3A_7 = vector.load %arg3[%get3A_6] : memref<64xf32, #tpu.memory_space<vmem>>, vector<64xf32>
    %broadcast_in_dim3A = vector.shape_cast %get3A_7 : vector<64xf32> to vector<1x64xf32>
    %add3A = vector.broadcast %broadcast_in_dim3A : vector<1x64xf32> to vector<1000x64xf32>
    %add3A_8 = arith.addf %dot_general3A_5, %add3A : vector<1000x64xf32>
    %max3A = arith.constant 0.000000e+00 : f32
    %max3A_9 = vector.broadcast %max3A : f32 to vector<1000x64xf32>
    %max3A_10 = arith.maximumf %add3A_8, %max3A_9 : vector<1000x64xf32>
    %get3A_11 = arith.constant 0 : index
    %get3A_12 = arith.constant 0 : index
    %get3A_13 = vector.load %arg4[%get3A_11, %get3A_12] : memref<64x64xf32, #tpu.memory_space<vmem>>, vector<64x64xf32>
    %dot_general3A_14 = arith.constant dense<0.000000e+00> : vector<1000x64xf32>
    %dot_general3A_15 = tpu.matmul %max3A_10, %get3A_13, %dot_general3A_14 {dimension_numbers = #tpu.dot_dimension_numbers<[1], [0], [0], [1], [0, 0, 1, 1], [], []>, transpose_lhs_hint = false} : vector<1000x64xf32>, vector<64x64xf32>, vector<1000x64xf32> -> vector<1000x64xf32>
    %swap3A = arith.constant 0 : index
    %swap3A_16 = arith.constant 0 : index
    %swap3A_17 = vector.load %arg5[%swap3A, %swap3A_16] : memref<1000x64xf32, #tpu.memory_space<vmem>>, vector<1000x64xf32>
    tpu.vector_store %arg5[%swap3A, %swap3A_16], %dot_general3A_15 {strides = array<i32>} : memref<1000x64xf32, #tpu.memory_space<vmem>>, vector<1000x64xf32>,
    return
  }
  func.func @transform_0(%arg0: i32) -> (i32, i32) {
    %c0_i32 = arith.constant 0 : i32
    %c0_i32_0 = arith.constant 0 : i32
    return %arg0, %c0_i32 : i32, i32
  }
  func.func @transform_1(%arg0: i32) -> (i32, i32) {
    %c0_i32 = arith.constant 0 : i32
    %c0_i32_0 = arith.constant 0 : i32
    %c0_i32_1 = arith.constant 0 : i32
    return %c0_i32, %c0_i32_0 : i32, i32
  }
  func.func @transform_2(%arg0: i32) -> i32 {
    %c0_i32 = arith.constant 0 : i32
    %c0_i32_0 = arith.constant 0 : i32
    return %c0_i32 : i32
  }
  func.func @transform_3(%arg0: i32) -> (i32, i32) {
    %c0_i32 = arith.constant 0 : i32
    %c0_i32_0 = arith.constant 0 : i32
    %c0_i32_1 = arith.constant 0 : i32
    return %c0_i32, %c0_i32_0 : i32, i32
  }
  func.func @transform_4(%arg0: i32) -> (i32, i32) {
    %c0_i32 = arith.constant 0 : i32
    %c0_i32_0 = arith.constant 0 : i32
    return %arg0, %c0_i32 : i32, i32
  }
}

module attributes {stable_mosaic.version = 14 : i64} {
  func.func @_scale_body(%arg0: i32, %arg1: memref<2x1000x128xf32, #tpu.memory_space<vmem>>, %arg2: memref<1000x64xf32, #tpu.memory_space<vmem>>, %arg3: memref<1000x128xf32, #tpu.memory_space<vmem>>) attributes {dimension_semantics = [#tpu.dimension_semantics<arbitrary>], iteration_bounds = array<i64: 10>, scalar_prefetch = 0 : i64, scratch_operands = 0 : i64, tpu.core_type = #tpu.core_type<tc>, window_params = [{transform_indices = @transform_0, window_bounds = array<i64: 2, 1000, 128>}, {transform_indices = @transform_1, window_bounds = array<i64: 1000, 64>}, {transform_indices = @transform_2, window_bounds = array<i64: 1000, 128>}]} {
    %get3A = arith.constant 0 : index
    %get3A_0 = arith.constant 0 : index
    %get3A_1 = arith.constant 0 : index
    %get3A_2 = vector.load %arg1[%get3A, %get3A_0, %get3A_1] : memref<2x1000x128xf32, #tpu.memory_space<vmem>>, vector<1x1000x1xf32>
    %get3A_3 = vector.shape_cast %get3A_2 : vector<1x1000x1xf32> to vector<1000x1xf32>
    %get3A_4 = arith.constant 1 : index
    %get3A_5 = arith.constant 0 : index
    %get3A_6 = arith.constant 0 : index
    %get3A_7 = vector.load %arg1[%get3A_4, %get3A_5, %get3A_6] : memref<2x1000x128xf32, #tpu.memory_space<vmem>>, vector<1x1000x1xf32>
    %get3A_8 = vector.shape_cast %get3A_7 : vector<1x1000x1xf32> to vector<1000x1xf32>
    %add3A = arith.addf %get3A_3, %get3A_8 : vector<1000x1xf32>
    %add3A_9 = arith.constant 1.000000e+00 : f32
    %add3A_10 = vector.broadcast %add3A_9 : f32 to vector<1000x1xf32>
    %add3A_11 = arith.addf %add3A, %add3A_10 : vector<1000x1xf32>
    %get3A_12 = arith.constant 0 : index
    %get3A_13 = arith.constant 0 : index
    %get3A_14 = vector.load %arg2[%get3A_12, %get3A_13] : memref<1000x64xf32, #tpu.memory_space<vmem>>, vector<1000x64xf32>
    %rsqrt3A = math.rsqrt %add3A_11 : vector<1000x1xf32>
    %mul3A = vector.broadcast %rsqrt3A : vector<1000x1xf32> to vector<1000x64xf32>
    %mul3A_15 = arith.mulf %get3A_14, %mul3A : vector<1000x64xf32>
    %concatenate3A = tpu.concatenate %mul3A_15, %mul3A_15 in 1 : vector<1000x64xf32>, vector<1000x64xf32> -> vector<1000x128xf32>
    %swap3A = arith.constant 0 : index
    %swap3A_16 = arith.constant 0 : index
    %swap3A_17 = vector.load %arg3[%swap3A, %swap3A_16] : memref<1000x128xf32, #tpu.memory_space<vmem>>, vector<1000x128xf32>
    tpu.vector_store %arg3[%swap3A, %swap3A_16], %concatenate3A {strides = array<i32>} : memref<1000x128xf32, #tpu.memory_space<vmem>>, vector<1000x128xf32>,
    return
  }
  func.func @transform_0(%arg0: i32) -> (i32, i32, i32) {
    %c0_i32 = arith.constant 0 : i32
    %c0_i32_0 = arith.constant 0 : i32
    %c0_i32_1 = arith.constant 0 : i32
    return %c0_i32, %arg0, %c0_i32_0 : i32, i32, i32
  }
  func.func @transform_1(%arg0: i32) -> (i32, i32) {
    %c0_i32 = arith.constant 0 : i32
    %c0_i32_0 = arith.constant 0 : i32
    return %arg0, %c0_i32 : i32, i32
  }
  func.func @transform_2(%arg0: i32) -> (i32, i32) {
    %c0_i32 = arith.constant 0 : i32
    %c0_i32_0 = arith.constant 0 : i32
    return %arg0, %c0_i32 : i32, i32
  }
}

module attributes {stable_mosaic.version = 14 : i64} {
  func.func @_final_body(%arg0: i32, %arg1: memref<2x1000x128xf32, #tpu.memory_space<vmem>>, %arg2: memref<2x1000x128xf32, #tpu.memory_space<vmem>>, %arg3: memref<1000x128xf32, #tpu.memory_space<vmem>>, %arg4: memref<64xf32, #tpu.memory_space<vmem>>, %arg5: memref<64x64xf32, #tpu.memory_space<vmem>>, %arg6: memref<64xf32, #tpu.memory_space<vmem>>, %arg7: memref<1000x64xf32, #tpu.memory_space<vmem>>) attributes {dimension_semantics = [#tpu.dimension_semantics<arbitrary>], iteration_bounds = array<i64: 10>, scalar_prefetch = 0 : i64, scratch_operands = 0 : i64, tpu.core_type = #tpu.core_type<tc>, window_params = [{transform_indices = @transform_0, window_bounds = array<i64: 2, 1000, 128>}, {transform_indices = @transform_1, window_bounds = array<i64: 2, 1000, 128>}, {transform_indices = @transform_2, window_bounds = array<i64: 1000, 128>}, {pipeline_mode = #tpu.pipeline_mode<synchronous>, transform_indices = @transform_3, window_bounds = array<i64: 64>}, {pipeline_mode = #tpu.pipeline_mode<synchronous>, transform_indices = @transform_4, window_bounds = array<i64: 64, 64>}, {pipeline_mode = #tpu.pipeline_mode<synchronous>, transform_indices = @transform_5, window_bounds = array<i64: 64>}, {transform_indices = @transform_6, window_bounds = array<i64: 1000, 64>}]} {
    %get3A = arith.constant 0 : index
    %get3A_0 = arith.constant 0 : index
    %get3A_1 = arith.constant 0 : index
    %get3A_2 = vector.load %arg1[%get3A, %get3A_0, %get3A_1] : memref<2x1000x128xf32, #tpu.memory_space<vmem>>, vector<1x1000x1xf32>
    %get3A_3 = vector.shape_cast %get3A_2 : vector<1x1000x1xf32> to vector<1000x1xf32>
    %get3A_4 = arith.constant 1 : index
    %get3A_5 = arith.constant 0 : index
    %get3A_6 = arith.constant 0 : index
    %get3A_7 = vector.load %arg1[%get3A_4, %get3A_5, %get3A_6] : memref<2x1000x128xf32, #tpu.memory_space<vmem>>, vector<1x1000x1xf32>
    %get3A_8 = vector.shape_cast %get3A_7 : vector<1x1000x1xf32> to vector<1000x1xf32>
    %add3A = arith.addf %get3A_3, %get3A_8 : vector<1000x1xf32>
    %add3A_9 = arith.constant 1.000000e+00 : f32
    %add3A_10 = vector.broadcast %add3A_9 : f32 to vector<1000x1xf32>
    %add3A_11 = arith.addf %add3A, %add3A_10 : vector<1000x1xf32>
    %rsqrt3A = math.rsqrt %add3A_11 : vector<1000x1xf32>
    %get3A_12 = arith.constant 0 : index
    %get3A_13 = arith.constant 0 : index
    %get3A_14 = arith.constant 0 : index
    %get3A_15 = vector.load %arg2[%get3A_12, %get3A_13, %get3A_14] : memref<2x1000x128xf32, #tpu.memory_space<vmem>>, vector<1x1000x64xf32>
    %get3A_16 = vector.shape_cast %get3A_15 : vector<1x1000x64xf32> to vector<1000x64xf32>
    %get3A_17 = arith.constant 1 : index
    %get3A_18 = arith.constant 0 : index
    %get3A_19 = arith.constant 0 : index
    %get3A_20 = vector.load %arg2[%get3A_17, %get3A_18, %get3A_19] : memref<2x1000x128xf32, #tpu.memory_space<vmem>>, vector<1x1000x64xf32>
    %get3A_21 = vector.shape_cast %get3A_20 : vector<1x1000x64xf32> to vector<1000x64xf32>
    %add3A_22 = arith.addf %get3A_16, %get3A_21 : vector<1000x64xf32>
    %get3A_23 = arith.constant 0 : index
    %get3A_24 = arith.constant 0 : index
    %get3A_25 = vector.load %arg3[%get3A_23, %get3A_24] : memref<1000x128xf32, #tpu.memory_space<vmem>>, vector<1000x64xf32>
    %add3A_26 = arith.addf %add3A_22, %get3A_25 : vector<1000x64xf32>
    %mul3A = vector.broadcast %rsqrt3A : vector<1000x1xf32> to vector<1000x64xf32>
    %mul3A_27 = arith.mulf %add3A_26, %mul3A : vector<1000x64xf32>
    %get3A_28 = arith.constant 0 : index
    %get3A_29 = vector.load %arg4[%get3A_28] : memref<64xf32, #tpu.memory_space<vmem>>, vector<64xf32>
    %broadcast_in_dim3A = vector.shape_cast %get3A_29 : vector<64xf32> to vector<1x64xf32>
    %add3A_30 = vector.broadcast %broadcast_in_dim3A : vector<1x64xf32> to vector<1000x64xf32>
    %add3A_31 = arith.addf %mul3A_27, %add3A_30 : vector<1000x64xf32>
    %get3A_32 = arith.constant 0 : index
    %get3A_33 = arith.constant 0 : index
    %get3A_34 = vector.load %arg5[%get3A_32, %get3A_33] : memref<64x64xf32, #tpu.memory_space<vmem>>, vector<64x64xf32>
    %dot_general3A = arith.constant dense<0.000000e+00> : vector<1000x64xf32>
    %dot_general3A_35 = tpu.matmul %add3A_31, %get3A_34, %dot_general3A {dimension_numbers = #tpu.dot_dimension_numbers<[1], [0], [0], [1], [0, 0, 1, 1], [], []>, transpose_lhs_hint = false} : vector<1000x64xf32>, vector<64x64xf32>, vector<1000x64xf32> -> vector<1000x64xf32>
    %get3A_36 = arith.constant 0 : index
    %get3A_37 = vector.load %arg6[%get3A_36] : memref<64xf32, #tpu.memory_space<vmem>>, vector<64xf32>
    %broadcast_in_dim3A_38 = vector.shape_cast %get3A_37 : vector<64xf32> to vector<1x64xf32>
    %add3A_39 = vector.broadcast %broadcast_in_dim3A_38 : vector<1x64xf32> to vector<1000x64xf32>
    %add3A_40 = arith.addf %dot_general3A_35, %add3A_39 : vector<1000x64xf32>
    %max3A = arith.constant 0.000000e+00 : f32
    %max3A_41 = vector.broadcast %max3A : f32 to vector<1000x64xf32>
    %max3A_42 = arith.maximumf %add3A_40, %max3A_41 : vector<1000x64xf32>
    %swap3A = arith.constant 0 : index
    %swap3A_43 = arith.constant 0 : index
    %swap3A_44 = vector.load %arg7[%swap3A, %swap3A_43] : memref<1000x64xf32, #tpu.memory_space<vmem>>, vector<1000x64xf32>
    tpu.vector_store %arg7[%swap3A, %swap3A_43], %max3A_42 {strides = array<i32>} : memref<1000x64xf32, #tpu.memory_space<vmem>>, vector<1000x64xf32>,
    return
  }
  func.func @transform_0(%arg0: i32) -> (i32, i32, i32) {
    %c0_i32 = arith.constant 0 : i32
    %c0_i32_0 = arith.constant 0 : i32
    %c0_i32_1 = arith.constant 0 : i32
    return %c0_i32, %arg0, %c0_i32_0 : i32, i32, i32
  }
  func.func @transform_1(%arg0: i32) -> (i32, i32, i32) {
    %c0_i32 = arith.constant 0 : i32
    %c0_i32_0 = arith.constant 0 : i32
    %c0_i32_1 = arith.constant 0 : i32
    return %c0_i32, %arg0, %c0_i32_0 : i32, i32, i32
  }
  func.func @transform_2(%arg0: i32) -> (i32, i32) {
    %c0_i32 = arith.constant 0 : i32
    %c0_i32_0 = arith.constant 0 : i32
    return %arg0, %c0_i32 : i32, i32
  }
  func.func @transform_3(%arg0: i32) -> i32 {
    %c0_i32 = arith.constant 0 : i32
    %c0_i32_0 = arith.constant 0 : i32
    return %c0_i32 : i32
  }
  func.func @transform_4(%arg0: i32) -> (i32, i32) {
    %c0_i32 = arith.constant 0 : i32
    %c0_i32_0 = arith.constant 0 : i32
    %c0_i32_1 = arith.constant 0 : i32
    return %c0_i32, %c0_i32_0 : i32, i32
  }
  func.func @transform_5(%arg0: i32) -> i32 {
    %c0_i32 = arith.constant 0 : i32
    %c0_i32_0 = arith.constant 0 : i32
    return %c0_i32 : i32
  }
  func.func @transform_6(%arg0: i32) -> (i32, i32) {
    %c0_i32 = arith.constant 0 : i32
    %c0_i32_0 = arith.constant 0 : i32
    return %arg0, %c0_i32 : i32, i32
  }
}

</mosaic_0001>

<sc_bundles>
// kernel: kernel.10.cloned.1.call-start
scs
__scs_entry_jumppad:
0x0: {  	(pc) =	sbr.rel $0x88, $3  }
0x1: {  	(tag) =	ssettag $0x0;
	lr =	simm.s32 $0x1  }
0x2: {  	[smem:$0x3F99] =	sst lr;
	_ =	strace $0xD0000000  }
0x3: {  	_ = 	snop  }
0x4: {  	_ = 	snop  }
0x5: {  	_ = 	snop  }
0x6: {  	_ = 	snop  }
0x7: {  	_ = 	snop  }
__scs_overlays_trampoline_lowered:
0x8: {  	[smem:$0x3FA8] =	sst s0  }
0x9: {  	[smem:$0x3FA9] =	sst s1  }
0xa: {  	[smem:$0x3FAA] =	sst s2  }
0xb: {  	[smem:$0x3FAB] =	sst s3  }
0xc: {  	[smem:$0x3FAC] =	sst s4  }
0xd: {  	[smem:$0x3FAD] =	sst s5  }
0xe: {  	[smem:$0x3FAE] =	sst s6  }
0xf: {  	[smem:$0x3FAF] =	sst s7  }
0x10: {  	[smem:$0x3FB0] =	sst s8  }
0x11: {  	[smem:$0x3FB1] =	sst s9;
	s0 =	simm.s32 @!p0 $0x0  }
0x12: {  	s1 =	sld [smem:$0x3F97];
	s0 =	simm.s32 @p0 $0x1  }
0x13: {  	[smem:$0x3FB2] =	sst s0;
	s0 =	simm.s32 @!p1 $0x0  }
0x14: {  	s2 =	sld [smem:$0x3F96];
	s0 =	simm.s32 @p1 $0x1  }
0x15: {  	[smem:$0x3FB3] =	sst s0;
	s0 =	simm.s32 @!p2 $0x0  }
0x16: {  	s3 =	sld [smem:$0x3FDB];
	s0 =	simm.s32 @p2 $0x1  }
0x17: {  	s4 =	simm.s32 $0x1BF5;
	[smem:$0x3FB5] =	sst s0  }
0x18: {  	s0 =	sld [smem:$0x3F98];
	_ =	swait.ge [sflag:s4], $0x0  }
0x19: {  	s7 =	sld [smem:$0x3F99]  }
0x1a: {  	s8 =	sadd.s32 $0xFFFFE003, lr  }
0x1b: {  	s9 =	sadd.s32 $0xFFFFFEF7, lr;
	s5 =	simm.s32 $0xFFFFFFFF;
	p2 =	slt.u32 s8, $0xFFFFF086  }
0x1c: {  	p1 =	slt.u32 s9, $0xF7A;
	s5 =	simm.s32 @!p2 $0x0  }
0x1d: {  	s5 =	simm.s32 @p1 $0x1;
	p0 =	seq.s32 s7, s2  }
0x1e: {  	s7 =	smul.u32 @!p0 $0xF7A, s2;
	p2 =	seq.s32 @!p0 s5, $0x0  }
0x1f: {  	s9 =	smul.u32 $0xF7A, s1;
	s8 =	simm.s32 @!p0 $0x1BF5;
	p2 =	por !p2, p0  }
0x20: {  	[sflag:s8] =	ssyncset.s32 @!p0 $0xFFFFF086;
	s6 =	sadd.s32 @!p0 s3, s7;
	s7 =	simm.s32 @!p0 $0x108  }
0x21: {  	s3 =	sadd.s32 s3, s9;
	s6 =	sadd.s32 @!p0 $0x88, s6;
	s7 =	simm.s32 @p2 $0x1082  }
0x22: {  	[simem:s7], [sflag:s8] =	dma.local @!p0 [hbm:s6], $0xF7A  }
0x23: {  	s9 =	sor.u32 $0xD0000000, s2;
	s6 =	simm.s32 $0x108;
	_ =	swait.ge @!p0 [sflag:s8], $0x0  }
0x24: {  	s3 =	sadd.s32 $0x88, s3;
	s6 =	simm.s32 @!p1 $0x1082;
	[sflag:s4] =	ssyncset.s32 $0xFFFFF086  }
0x25: {  	[simem:s6], [sflag:s4] =	dma.local [hbm:s3], $0xF7A  }
0x26: {  	[smem:$0x3F99] =	sst s1;
	(tag) =	ssettag s2;
	_ =	strace s9  }
0x27: {  	s1 =	sld [smem:$0x3FA9]  }
0x28: {  	s2 =	sld [smem:$0x3FAA]  }
0x29: {  	s4 =	sld [smem:$0x3FAC]  }
0x2a: {  	p0 =	seq.s32 s5, $0x0;
	s5 =	sld [smem:$0x3FAD]  }
0x2b: {  	s6 =	sld [smem:$0x3FAE]  }
0x2c: {  	s7 =	sld [smem:$0x3FAF]  }
0x2d: {  	s3 =	simm.s32 $0x108;
	s8 =	sld [smem:$0x3FB0]  }
0x2e: {  	s3 =	simm.s32 @!p0 $0x1082;
	s9 =	sld [smem:$0x3FB1]  }
0x2f: {  	lr =	sadd.s32 s0, s3;
	s0 =	sld [smem:$0x3FA8]  }
0x30: {  	s3 =	sld [smem:$0x3FAB]  }
0x31: {  	[smem:$0x3FB4] =	sst s10  }
0x32: {  	s10 =	sld [smem:$0x3FB2];
	_ =	sdelay $0x3  }
0x33: {  	p0 =	seq.s32 s10, $0x1;
	s10 =	sld [smem:$0x3FB4];
	_ =	sdelay $0x3  }
0x34: {  	[smem:$0x3FB4] =	sst s10  }
0x35: {  	s10 =	sld [smem:$0x3FB3];
	_ =	sdelay $0x3  }
0x36: {  	p1 =	seq.s32 s10, $0x1;
	s10 =	sld [smem:$0x3FB4];
	_ =	sdelay $0x3  }
0x37: {  	[smem:$0x3FB4] =	sst s10  }
0x38: {  	s10 =	sld [smem:$0x3FB5]  }
0x39: {  	_ = 	snop;
	(pc) =	sbr.ind lr, $3  }
0x3a: {  	_ = 	snop  }
0x3b: {  	_ = 	snop  }
0x3c: {  	p2 =	seq.s32 s10, $0x1;
	s10 =	sld [smem:$0x3FB4]  }
0x3d: {  	_ =	shalt  }
0x3e: {  	_ =	shalt  }
0x3f: {  	_ =	shalt  }
0x40: {  	_ =	shalt  }
0x41: {  	_ =	shalt  }
0x42: {  	_ =	shalt  }
0x43: {  	_ =	shalt  }
0x44: {  	_ =	shalt  }
0x45: {  	_ =	shalt  }
0x46: {  	_ =	shalt  }
0x47: {  	_ =	shalt  }
0x48: {  	_ =	shalt  }
0x49: {  	_ =	shalt  }
0x4a: {  	_ =	shalt  }
0x4b: {  	_ =	shalt  }
0x4c: {  	_ =	shalt  }
0x4d: {  	_ =	shalt  }
0x4e: {  	_ =	shalt  }
0x4f: {  	_ =	shalt  }
0x50: {  	_ =	shalt  }
0x51: {  	_ =	shalt  }
0x52: {  	_ =	shalt  }
0x53: {  	_ =	shalt  }
0x54: {  	_ =	shalt  }
0x55: {  	_ =	shalt  }
0x56: {  	_ =	shalt  }
0x57: {  	_ =	shalt  }
0x58: {  	_ =	shalt  }
0x59: {  	_ =	shalt  }
0x5a: {  	_ =	shalt  }
0x5b: {  	_ =	shalt  }
0x5c: {  	_ =	shalt  }
0x5d: {  	_ =	shalt  }
0x5e: {  	_ =	shalt  }
0x5f: {  	_ =	shalt  }
0x60: {  	_ =	shalt  }
0x61: {  	_ =	shalt  }
0x62: {  	_ =	shalt  }
0x63: {  	_ =	shalt  }
0x64: {  	_ =	shalt  }
0x65: {  	_ =	shalt  }
0x66: {  	_ =	shalt  }
0x67: {  	_ =	shalt  }
0x68: {  	_ =	shalt  }
0x69: {  	_ =	shalt  }
0x6a: {  	_ =	shalt  }
0x6b: {  	_ =	shalt  }
0x6c: {  	_ =	shalt  }
0x6d: {  	_ =	shalt  }
0x6e: {  	_ =	shalt  }
0x6f: {  	_ =	shalt  }
0x70: {  	_ =	shalt  }
0x71: {  	_ =	shalt  }
0x72: {  	_ =	shalt  }
0x73: {  	_ =	shalt  }
0x74: {  	_ =	shalt  }
0x75: {  	_ =	shalt  }
0x76: {  	_ =	shalt  }
0x77: {  	_ =	shalt  }
0x78: {  	_ =	shalt  }
0x79: {  	_ =	shalt  }
0x7a: {  	_ =	shalt  }
0x7b: {  	_ =	shalt  }
0x7c: {  	_ =	shalt  }
0x7d: {  	_ =	shalt  }
0x7e: {  	_ =	shalt  }
0x7f: {  	_ =	shalt  }
0x80: {  	_ =	shalt  }
0x81: {  	_ =	shalt  }
0x82: {  	_ =	shalt  }
0x83: {  	_ =	shalt  }
0x84: {  	_ =	shalt  }
0x85: {  	_ =	shalt  }
0x86: {  	_ =	shalt  }
0x87: {  	_ =	shalt  }
.Lfunc_end0:
.L_simem_size_0:
called_computation.1_lowered:
.L_overlay_start_0:
0x88: {  	s2 =	sld [smem:$0x3FD9]  }
0x89: {  	s3 =	sld [smem:$0x3FFE];
	_ =	sdelay $0x1  }
0x8a: {  	s1 =	srdreg.scid  }
0x8b: {  	s0 =	sand.u32 $0x1, s1  }
0x8c: {  	s16 =	sshll.u32 s0, $0xA;
	s2 =	sadd.s32 s3, s2  }
0x8d: {  	s2 =	sadd.s32 s2, s16  }
0x8e: {  	[smem:$0x3FC0] =	sst s2  }
0x8f: {  	_ = 	snop  }
0x90: {  	(tm) =	ssettm $0x1  }
0x91: {  	s17 =	sld [smem:$0x3FFB];
	_ =	sdelay $0x3  }
0x92: {  	_ =	strace s17  }
0x93: {  	s2 =	sld [smem:$0x3FFC];
	_ =	sdelay $0x3  }
0x94: {  	_ =	strace s2  }
0x95: {  	s2 =	sld [smem:$0x3FFD];
	_ =	sdelay $0x3  }
0x96: {  	_ =	strace s2  }
0x97: {  	_ =	strace $0x8FFFFFFF  }
0x98: {  	s18 =	sld [smem:$0x3FDB];
	_ =	sdelay $0x1  }
0x99: {  	s19 =	simm.s32 $_scs_section_size  }
0x9a: {  	s4 =	simm.s32 $_size__tile_overlayer_lowered;
	s5 =	simm.s32 $_tile_overlayer_lowered  }
0x9b: {  	s22 =	simm.s32 $0x1BFF;
	s21 =	sshll.u32 s5, $0x1;
	s2 =	sadd.s32 s19, s18  }
0x9c: {  	s6 =	simm.s32 $0x0;
	s20 =	sshll.u32 s4, $0x1;
	s4 =	sadd.s32 s21, s2  }
0x9d: {  	[timem:s6], [sflag:s22] =	dma.local [hbm:s4], s20  }
0x9e: {  	_ =	swait.ge [sflag:s22], s20  }
0x9f: {  	s3 =	ssub.s32 $0x0, s20;
	[sflag:s22] =	ssyncset.done $0x0  }
0xa0: {  	[sflag:s22] =	ssyncadd.s32 s3;
	_ =	sdelay $0x1  }
0xa1: {  	s23 =	simm.s32 $0x1B8B  }
0xa2: {  	_ =	swait.ge [sflag:s23], $0x1  }
0xa3: {  	[sflag:s23] =	ssyncset.done $0x0  }
0xa4: {  	s25 =	simm.s32 $0x1B8E;
	s24 =	sld [smem:$0x3FFE];
	[sflag:s23] =	ssyncadd.s32 $0xFFFFFFFF  }
0xa5: {  	s26 =	simm.s32 $execute0_lowered;
	[smem:$0x3FD2] =	sst s25  }
0xa6: {  	s4 =	sshll.u32 s26, $0x1;
	_ =	strace $0x80000049;
	[dreg:$0x1] =	wrdreg $0xFFFFFFFF  }
0xa7: {  	s28 =	simm.s32 $_size_execute0_lowered;
	s2 =	sadd.s32 s2, s4;
	[dreg:$0x0] =	wrdreg $0x0  }
0xa8: {  	s4 =	sshll.u32 s28, $0x1;
	[dreg:$0x2] =	wrdreg s2  }
0xa9: {  	[dreg:$0x3] =	wrdreg s4  }
0xaa: {  	[dreg:$0x4] =	wrdreg $0xC0  }
0xab: {  	_ =	task [dreg:s6], $0x5FFFF  }
0xac: {  	[dreg:$0x1] =	wrdreg $0xFFFFFFFF  }
0xad: {  	[dreg:$0x0] =	wrdreg $0x60  }
0xae: {  	[dreg:$0x2] =	wrdreg s24  }
0xaf: {  	[dreg:$0x3] =	wrdreg $0x0  }
0xb0: {  	[dreg:$0x4] =	wrdreg $0x9  }
0xb1: {  	_ =	task.clear_ibuf [dreg:s6], $0x5FFFF;
	_ =	strace $0x90000049  }
0xb2: {  	s29 =	simm.s32 $0x9;
	_ =	strace $0x8000004B  }
0xb3: {  	_ =	swait.ge [sflag:s29], $0x1  }
0xb4: {  	[sflag:s29] =	ssyncadd.s32 $0xFFFFFFFF  }
0xb5: {  	_ =	strace $0x9000004B  }
0xb6: {  	_ =	sfence  }
0xb7: {  	s30 =	sld [smem:$0x0];
	_ =	sdelay $0x2  }
0xb8: {  	s31 =	sshll.u32 s1, $0xD;
	s1 =	sshrl.u32 s1, $0x2  }
0xb9: {  	s3 =	sand.u32 $0x4000, s31;
	s1 =	sadd.s32 s1, s30  }
0xba: {  	s0 =	sor.u32 s3, s0;
	s1 =	sshll.u32 s1, $0x11  }
0xbb: {  	s0 =	sor.u32 s1, s0  }
0xbc: {  	s0 =	sadd.s32 $0x8F2B, s0  }
0xbd: {  	[sflag:s0] =	ssyncadd.remote.s32 $0x1  }
0xbe: {  	_ =	sfence.sel $0xFFFF  }
0xbf: {  	[dreg:$0x0] =	wrdreg $0xFFFFFFFF;
	(pc) =	sbr.abs _section_cstart, $3  }
0xc0: {  	[dreg:$0x1] =	wrdreg $0xFFFFFFFF  }
0xc1: {  	_ =	task.clear_ibuf [dreg:s6], $0x2FFFF;
	_ =	strace $0x9FFFFFFF  }
0xc2: {  	(tm) =	ssettm $0x7FFFFFFF  }
0xc3: {  	_ =	shalt  }
tec
execute0_lowered:
.L_overlay_start_1:
0x0: {  	(tag) =	ssettag $0x1  }
0x1: {  	s6 =	rddreg [dreg:$0x0]  }
0x2: {  	s1 =	rddreg [dreg:$0x1]  }
0x3: {  	s0 =	rddreg [dreg:$0x2];
	s3 =	simm.s32 $0x0;
	s2 =	srdreg.scid  }
0x4: {  	s16 =	simm.s32 $0x16800;
	s17 =	simm.s32 $0x40;
	s18 =	simm.s32 $0x19000  }
0x5: {  	s19 =	simm.s32 $0x1B000;
	s20 =	simm.s32 $0x1;
	s21 =	simm.s32 $0x2  }
0x6: {  	s22 =	simm.s32 $0x16780;
	s23 =	simm.s32 $0x18F00;
	s24 =	simm.s32 $0x18F80  }
0x7: {  	s25 =	simm.s32 $0x0;
	[smem:$0x7FF] =	sst s3;
	s7 =	sand.u32 $0x1, s2  }
0x8: {  	s2 =	stileid.u32;
	s4 =	sadd.s32 $0x4A00, s6;
	s10 =	sadd.s32 $0x68A00, s6  }
0x9: {  	s11 =	sadd.s32 $0x54A00, s6;
	s5 =	sadd.s32 $0x2200, s6;
	s8 =	smul.u32 $0x140000, s7  }
0xa: {  	_ =	strace $0x8000004A;
	s9 =	smul.u32 $0x14000, s2;
	s26 =	sshll.u32 s7, $0x4  }
0xb: {  	s7 =	ssub.s32 $0x2, s7;
	s12 =	smul.u32 $0x50000, s2;
	s29 =	sshll.u32 s2, $0x6  }
0xc: {  	s13 =	sshrl.u32 s7, $0x1;
	s8 =	sadd.s32 s9, s8;
	s9 =	sor.u32 s2, s26  }
0xd: {  	s13 =	ssub.s32 s7, s13;
	s28 =	sshrl.u32 s12, $0x2;
	s9 =	smul.u32 $0x5000, s9  }
0xe: {  	s8 =	sshrl.u32 s8, $0x3;
	s15 =	sadd.s32 s28, s1;
	s12 =	smax.u32 s13, $0x1  }
0xf: {  	s14 =	sadd.s32 s8, s6;
	s6 =	sor.u32 $0x1C03, s29;
	s30 =	sshrl.u32 s9, $0x3  }
0x10: {  	s13 =	sshrl.u32 s15, $0x3;
	s15 =	simm.s32 $0x14000;
	s31 =	sadd.s32 $0x500, s30  }
0x11: {  	s7 =	sadd.s32 s10, s30;
	s8 =	sadd.s32 s11, s30;
	s9 =	sadd.s32 s10, s31  }
0x12: {  	s10 =	sadd.s32 s11, s31;
	s11 =	sadd.s32 $0x7CA00, s14;
	s14 =	simm.s32 $0x3  }
.LBB2_1:
0x13: {  	[spmem:s13], [sflag:s6] =	dma.local [hbm:s5], $0x2800  }
0x14: {  	_ =	swait.ge [sflag:s14], $0x2800  }
0x15: {  	[sflag:s14] =	ssyncset.done $0x0  }
0x16: {  	[sflag:s14] =	ssyncadd.s32 $0xFFFFD800  }
0x17: {  	[bflag:$0x0] =	sbarrier.arrive $0xFFFF  }
0x18: {  	[tilespmem:s15], [sflag:$0x3] =	stream.linear.gather [hbm4b:s7+s3], $0x2800, $0x38;
	[tilespmem:$0x1D000] =	vst v63  }
0x19: {  	_ =	swait.ge [sflag:s14], $0x2800  }
0x1a: {  	[sflag:s14] =	ssyncset.done $0x0  }
0x1b: {  	[sflag:s14] =	ssyncadd.s32 $0xFFFFD800  }
0x1c: {  	[tilespmem:s16], [sflag:$0x3] =	stream.linear.gather [hbm4b:s8+s3], $0x2800, $0x38;
	[tilespmem:$0x1D000] =	vst v63  }
0x1d: {  	_ =	swait.ge [sflag:s14], $0x2800  }
0x1e: {  	[sflag:s14] =	ssyncset.done $0x0  }
0x1f: {  	[sflag:s14] =	ssyncadd.s32 $0xFFFFD800  }
0x20: {  	[tilespmem:s18], [sflag:$0x1] =	stream.indirect.gather [hbm4b:s4+s17], $0x80, s15, s17, $0xb8;
	[tilespmem:$0x1D000] =	vst v63  }
0x21: {  	s26 =	simm.s32 $0x14080  }
0x22: {  	[tilespmem:s19], [sflag:$0x2] =	stream.indirect.gather [hbm4b:s4+s17], $0x80, s26, s17, $0xb8;
	[tilespmem:$0x1D000] =	vst v63  }
0x23: {  	_ =	swait.ge [sflag:s20], $0x2000  }
0x24: {  	[sflag:s20] =	ssyncset.done $0x0  }
0x25: {  	s29 =	simm.s32 $0x16800;
	[sflag:s20] =	ssyncadd.s32 $0xFFFFE000  }
0x26: {  	[spmem:s1] =	stream.indirect.scatter.add.f32 [tilespmem:s18], [sflag:$0x3], $0x80, s29, s17, $0xb8;
	[tilespmem:$0x1D000] =	vst v63  }
0x27: {  	_ =	swait.ge [sflag:s14], $0x2000  }
0x28: {  	[sflag:s14] =	ssyncset.done $0x0  }
0x29: {  	s30 =	simm.s32 $0x14100;
	[sflag:s14] =	ssyncadd.s32 $0xFFFFE000  }
0x2a: {  	[tilespmem:s18], [sflag:$0x1] =	stream.indirect.gather [hbm4b:s4+s17], $0x80, s30, s17, $0xb8;
	[tilespmem:$0x1D000] =	vst v63  }
0x2b: {  	_ =	swait.ge [sflag:s21], $0x2000  }
0x2c: {  	[sflag:s21] =	ssyncset.done $0x0  }
0x2d: {  	s31 =	simm.s32 $0x16880;
	[sflag:s21] =	ssyncadd.s32 $0xFFFFE000  }
0x2e: {  	[spmem:s1] =	stream.indirect.scatter.add.f32 [tilespmem:s19], [sflag:$0x3], $0x80, s31, s17, $0xb8;
	[tilespmem:$0x1D000] =	vst v63  }
0x2f: {  	_ =	swait.ge [sflag:s14], $0x2000  }
0x30: {  	s28 =	simm.s32 $0x800;
	s26 =	simm.s32 $0x100;
	[sflag:s14] =	ssyncset.done $0x0  }
.LBB2_2:
0x31: {  	s29 =	sadd.s32 $0x14080, s26  }
0x32: {  	[sflag:s14] =	ssyncadd.s32 $0xFFFFE000;
	s30 =	smov.u32 s28;
	s31 =	sadd.s32 $0x400, s28  }
0x33: {  	[tilespmem:s19], [sflag:$0x2] =	stream.indirect.gather [hbm4b:s4+s17], $0x80, s29, s17, $0xb8;
	[tilespmem:$0x1D000] =	vst v63  }
0x34: {  	p0 =	sne.s32 s28, $0x9800;
	_ =	swait.ge [sflag:s20], $0x2000  }
0x35: {  	[sflag:s20] =	ssyncset.done $0x0  }
0x36: {  	s28 =	sadd.s32 $0x16800, s26;
	[sflag:s20] =	ssyncadd.s32 $0xFFFFE000  }
0x37: {  	[spmem:s1] =	stream.indirect.scatter.add.f32 [tilespmem:s18], [sflag:$0x3], $0x80, s28, s17, $0xb8;
	[tilespmem:$0x1D000] =	vst v63  }
0x38: {  	_ =	swait.ge [sflag:s14], $0x2000  }
0x39: {  	[sflag:s14] =	ssyncset.done $0x0  }
0x3a: {  	s28 =	sadd.s32 $0x14100, s26;
	[sflag:s14] =	ssyncadd.s32 $0xFFFFE000  }
0x3b: {  	[tilespmem:s18], [sflag:$0x1] =	stream.indirect.gather [hbm4b:s4+s17], $0x80, s28, s17, $0xb8;
	[tilespmem:$0x1D000] =	vst v63  }
0x3c: {  	_ =	swait.ge [sflag:s21], $0x2000  }
.Ltmp0:
0x3d: {  	[sflag:s21] =	ssyncset.done $0x0;
	(pc) =	sbr.rel @p0 .LBB2_2-.Ltmp0, $4  }
0x3e: {  	s26 =	sadd.s32 $0x16880, s26;
	[sflag:s21] =	ssyncadd.s32 $0xFFFFE000  }
0x3f: {  	[spmem:s1] =	stream.indirect.scatter.add.f32 [tilespmem:s19], [sflag:$0x3], $0x80, s26, s17, $0xb8;
	[tilespmem:$0x1D000] =	vst v63  }
0x40: {  	_ =	swait.ge [sflag:s14], $0x2000  }
0x41: {  	s28 =	smov.u32 s31;
	s26 =	sshra.s32 s30, $0x2;
	[sflag:s14] =	ssyncset.done $0x0  }
0x42: {  	s28 =	sadd.s32 $0x14080, s26;
	[sflag:s14] =	ssyncadd.s32 $0xFFFFE000  }
0x43: {  	[tilespmem:s19], [sflag:$0x2] =	stream.indirect.gather [hbm4b:s4+s17], $0x80, s28, s17, $0xb8;
	[tilespmem:$0x1D000] =	vst v63  }
0x44: {  	_ =	swait.ge [sflag:s20], $0x2000  }
0x45: {  	[sflag:s20] =	ssyncset.done $0x0  }
0x46: {  	s28 =	sadd.s32 $0x16800, s26;
	[sflag:s20] =	ssyncadd.s32 $0xFFFFE000  }
0x47: {  	[spmem:s1] =	stream.indirect.scatter.add.f32 [tilespmem:s18], [sflag:$0x3], $0x80, s28, s17, $0xb8;
	[tilespmem:$0x1D000] =	vst v63  }
0x48: {  	_ =	swait.ge [sflag:s14], $0x2000  }
0x49: {  	[sflag:s14] =	ssyncset.done $0x0  }
0x4a: {  	s28 =	sadd.s32 $0x14100, s26;
	[sflag:s14] =	ssyncadd.s32 $0xFFFFE000  }
0x4b: {  	[tilespmem:s18], [sflag:$0x1] =	stream.indirect.gather [hbm4b:s4+s17], $0x80, s28, s17, $0xb8;
	[tilespmem:$0x1D000] =	vst v63  }
0x4c: {  	_ =	swait.ge [sflag:s21], $0x2000  }
0x4d: {  	[sflag:s21] =	ssyncset.done $0x0  }
0x4e: {  	s29 =	sadd.s32 $0x16880, s26;
	[sflag:s21] =	ssyncadd.s32 $0xFFFFE000  }
0x4f: {  	[spmem:s1] =	stream.indirect.scatter.add.f32 [tilespmem:s19], [sflag:$0x3], $0x80, s29, s17, $0xb8;
	[tilespmem:$0x1D000] =	vst v63  }
0x50: {  	_ =	swait.ge [sflag:s14], $0x2000  }
0x51: {  	[sflag:s14] =	ssyncset.done $0x0  }
0x52: {  	[sflag:s14] =	ssyncadd.s32 $0xFFFFE000  }
0x53: {  	[tilespmem:s19], [sflag:$0x2] =	stream.indirect.gather [hbm4b:s4+s17], $0x80, s22, s17, $0xb8;
	[tilespmem:$0x1D000] =	vst v63  }
0x54: {  	_ =	swait.ge [sflag:s20], $0x2000  }
0x55: {  	[sflag:s20] =	ssyncset.done $0x0  }
0x56: {  	[sflag:s20] =	ssyncadd.s32 $0xFFFFE000  }
0x57: {  	[spmem:s1] =	stream.indirect.scatter.add.f32 [tilespmem:s18], [sflag:$0x3], $0x80, s23, s17, $0xb8;
	[tilespmem:$0x1D000] =	vst v63  }
0x58: {  	_ =	swait.ge [sflag:s14], $0x2000  }
0x59: {  	[sflag:s14] =	ssyncset.done $0x0  }
0x5a: {  	[sflag:s14] =	ssyncadd.s32 $0xFFFFE000  }
0x5b: {  	_ =	swait.ge [sflag:s21], $0x2000  }
0x5c: {  	[sflag:s21] =	ssyncset.done $0x0  }
0x5d: {  	[sflag:s21] =	ssyncadd.s32 $0xFFFFE000  }
0x5e: {  	[spmem:s1] =	stream.indirect.scatter.add.f32 [tilespmem:s19], [sflag:$0x3], $0x80, s24, s17, $0xb8;
	[tilespmem:$0x1D000] =	vst v63  }
0x5f: {  	_ =	swait.ge [sflag:s14], $0x2000  }
0x60: {  	[sflag:s14] =	ssyncset.done $0x0  }
0x61: {  	s30 =	simm.s32 $0x0;
	[sflag:s14] =	ssyncadd.s32 $0xFFFFE000  }
0x62: {  	[tilespmem:s15], [sflag:$0x3] =	stream.linear.gather [hbm4b:s9+s30], $0x2800, $0x38;
	[tilespmem:$0x1D000] =	vst v63  }
0x63: {  	_ =	swait.ge [sflag:s14], $0x2800  }
0x64: {  	[sflag:s14] =	ssyncset.done $0x0  }
0x65: {  	[sflag:s14] =	ssyncadd.s32 $0xFFFFD800  }
0x66: {  	[tilespmem:s16], [sflag:$0x3] =	stream.linear.gather [hbm4b:s10+s30], $0x2800, $0x38;
	[tilespmem:$0x1D000] =	vst v63  }
0x67: {  	_ =	swait.ge [sflag:s14], $0x2800  }
0x68: {  	[sflag:s14] =	ssyncset.done $0x0  }
0x69: {  	[sflag:s14] =	ssyncadd.s32 $0xFFFFD800  }
0x6a: {  	[tilespmem:s18], [sflag:$0x1] =	stream.indirect.gather [hbm4b:s4+s17], $0x80, s15, s17, $0xb8;
	[tilespmem:$0x1D000] =	vst v63  }
0x6b: {  	s31 =	simm.s32 $0x14080  }
0x6c: {  	[tilespmem:s19], [sflag:$0x2] =	stream.indirect.gather [hbm4b:s4+s17], $0x80, s31, s17, $0xb8;
	[tilespmem:$0x1D000] =	vst v63  }
0x6d: {  	_ =	swait.ge [sflag:s20], $0x2000  }
0x6e: {  	[sflag:s20] =	ssyncset.done $0x0  }
0x6f: {  	s29 =	simm.s32 $0x16800;
	[sflag:s20] =	ssyncadd.s32 $0xFFFFE000  }
0x70: {  	[spmem:s1] =	stream.indirect.scatter.add.f32 [tilespmem:s18], [sflag:$0x3], $0x80, s29, s17, $0xb8;
	[tilespmem:$0x1D000] =	vst v63  }
0x71: {  	_ =	swait.ge [sflag:s14], $0x2000  }
0x72: {  	[sflag:s14] =	ssyncset.done $0x0  }
0x73: {  	s30 =	simm.s32 $0x14100;
	[sflag:s14] =	ssyncadd.s32 $0xFFFFE000  }
0x74: {  	[tilespmem:s18], [sflag:$0x1] =	stream.indirect.gather [hbm4b:s4+s17], $0x80, s30, s17, $0xb8;
	[tilespmem:$0x1D000] =	vst v63  }
0x75: {  	_ =	swait.ge [sflag:s21], $0x2000  }
0x76: {  	[sflag:s21] =	ssyncset.done $0x0  }
0x77: {  	s31 =	simm.s32 $0x16880;
	[sflag:s21] =	ssyncadd.s32 $0xFFFFE000  }
0x78: {  	[spmem:s1] =	stream.indirect.scatter.add.f32 [tilespmem:s19], [sflag:$0x3], $0x80, s31, s17, $0xb8;
	[tilespmem:$0x1D000] =	vst v63  }
0x79: {  	_ =	swait.ge [sflag:s14], $0x2000  }
0x7a: {  	s26 =	simm.s32 $0x100;
	s28 =	simm.s32 $0x800;
	[sflag:s14] =	ssyncset.done $0x0  }
.LBB2_4:
0x7b: {  	s29 =	sadd.s32 $0x14080, s26  }
0x7c: {  	[sflag:s14] =	ssyncadd.s32 $0xFFFFE000;
	s30 =	smov.u32 s28;
	s31 =	sadd.s32 $0x400, s28  }
0x7d: {  	[tilespmem:s19], [sflag:$0x2] =	stream.indirect.gather [hbm4b:s4+s17], $0x80, s29, s17, $0xb8;
	[tilespmem:$0x1D000] =	vst v63  }
0x7e: {  	p0 =	sne.s32 s28, $0x9800;
	_ =	swait.ge [sflag:s20], $0x2000  }
0x7f: {  	[sflag:s20] =	ssyncset.done $0x0  }
0x80: {  	s28 =	sadd.s32 $0x16800, s26;
	[sflag:s20] =	ssyncadd.s32 $0xFFFFE000  }
0x81: {  	[spmem:s1] =	stream.indirect.scatter.add.f32 [tilespmem:s18], [sflag:$0x3], $0x80, s28, s17, $0xb8;
	[tilespmem:$0x1D000] =	vst v63  }
0x82: {  	_ =	swait.ge [sflag:s14], $0x2000  }
0x83: {  	[sflag:s14] =	ssyncset.done $0x0  }
0x84: {  	s28 =	sadd.s32 $0x14100, s26;
	[sflag:s14] =	ssyncadd.s32 $0xFFFFE000  }
0x85: {  	[tilespmem:s18], [sflag:$0x1] =	stream.indirect.gather [hbm4b:s4+s17], $0x80, s28, s17, $0xb8;
	[tilespmem:$0x1D000] =	vst v63  }
0x86: {  	_ =	swait.ge [sflag:s21], $0x2000  }
.Ltmp1:
0x87: {  	[sflag:s21] =	ssyncset.done $0x0;
	(pc) =	sbr.rel @p0 .LBB2_4-.Ltmp1, $4  }
0x88: {  	s26 =	sadd.s32 $0x16880, s26;
	[sflag:s21] =	ssyncadd.s32 $0xFFFFE000  }
0x89: {  	[spmem:s1] =	stream.indirect.scatter.add.f32 [tilespmem:s19], [sflag:$0x3], $0x80, s26, s17, $0xb8;
	[tilespmem:$0x1D000] =	vst v63  }
0x8a: {  	_ =	swait.ge [sflag:s14], $0x2000  }
0x8b: {  	s28 =	smov.u32 s31;
	s26 =	sshra.s32 s30, $0x2;
	[sflag:s14] =	ssyncset.done $0x0  }
0x8c: {  	s28 =	sadd.s32 $0x14080, s26;
	[sflag:s14] =	ssyncadd.s32 $0xFFFFE000  }
0x8d: {  	[tilespmem:s19], [sflag:$0x2] =	stream.indirect.gather [hbm4b:s4+s17], $0x80, s28, s17, $0xb8;
	[tilespmem:$0x1D000] =	vst v63  }
0x8e: {  	_ =	swait.ge [sflag:s20], $0x2000  }
0x8f: {  	[sflag:s20] =	ssyncset.done $0x0  }
0x90: {  	s29 =	sadd.s32 $0x16800, s26;
	[sflag:s20] =	ssyncadd.s32 $0xFFFFE000  }
0x91: {  	[spmem:s1] =	stream.indirect.scatter.add.f32 [tilespmem:s18], [sflag:$0x3], $0x80, s29, s17, $0xb8;
	[tilespmem:$0x1D000] =	vst v63  }
0x92: {  	_ =	swait.ge [sflag:s14], $0x2000  }
0x93: {  	[sflag:s14] =	ssyncset.done $0x0  }
0x94: {  	s30 =	sadd.s32 $0x14100, s26;
	[sflag:s14] =	ssyncadd.s32 $0xFFFFE000  }
0x95: {  	[tilespmem:s18], [sflag:$0x1] =	stream.indirect.gather [hbm4b:s4+s17], $0x80, s30, s17, $0xb8;
	[tilespmem:$0x1D000] =	vst v63  }
0x96: {  	_ =	swait.ge [sflag:s21], $0x2000  }
0x97: {  	[sflag:s21] =	ssyncset.done $0x0  }
0x98: {  	s31 =	sadd.s32 $0x16880, s26;
	[sflag:s21] =	ssyncadd.s32 $0xFFFFE000  }
0x99: {  	[spmem:s1] =	stream.indirect.scatter.add.f32 [tilespmem:s19], [sflag:$0x3], $0x80, s31, s17, $0xb8;
	[tilespmem:$0x1D000] =	vst v63  }
0x9a: {  	_ =	swait.ge [sflag:s14], $0x2000  }
0x9b: {  	[sflag:s14] =	ssyncset.done $0x0  }
0x9c: {  	[sflag:s14] =	ssyncadd.s32 $0xFFFFE000  }
0x9d: {  	[tilespmem:s19], [sflag:$0x2] =	stream.indirect.gather [hbm4b:s4+s17], $0x80, s22, s17, $0xb8;
	[tilespmem:$0x1D000] =	vst v63  }
0x9e: {  	_ =	swait.ge [sflag:s20], $0x2000  }
0x9f: {  	[sflag:s20] =	ssyncset.done $0x0  }
0xa0: {  	[sflag:s20] =	ssyncadd.s32 $0xFFFFE000  }
0xa1: {  	[spmem:s1] =	stream.indirect.scatter.add.f32 [tilespmem:s18], [sflag:$0x3], $0x80, s23, s17, $0xb8;
	[tilespmem:$0x1D000] =	vst v63  }
0xa2: {  	_ =	swait.ge [sflag:s14], $0x2000  }
0xa3: {  	[sflag:s14] =	ssyncset.done $0x0  }
0xa4: {  	[sflag:s14] =	ssyncadd.s32 $0xFFFFE000  }
0xa5: {  	_ =	swait.ge [sflag:s21], $0x2000  }
0xa6: {  	[sflag:s21] =	ssyncset.done $0x0  }
0xa7: {  	[sflag:s21] =	ssyncadd.s32 $0xFFFFE000  }
0xa8: {  	[spmem:s1] =	stream.indirect.scatter.add.f32 [tilespmem:s19], [sflag:$0x3], $0x80, s24, s17, $0xb8;
	[tilespmem:$0x1D000] =	vst v63  }
0xa9: {  	_ =	swait.ge [sflag:s14], $0x2000  }
0xaa: {  	s25 =	sadd.s32 $0x1, s25;
	[sflag:s14] =	ssyncset.done $0x0  }
0xab: {  	p0 =	sne.s32 s25, s12;
	[sflag:s14] =	ssyncadd.s32 $0xFFFFE000  }
.Ltmp2:
0xac: {  	[bflag:$0x0] =	sbarrier.arrive $0xFFFF;
	(pc) =	sbr.rel @p0 .LBB2_1-.Ltmp2, $4  }
0xad: {  	[hbm:s11], [sflag:s6] =	dma.local [spmem:s13], $0x2800  }
0xae: {  	_ =	swait.ge [sflag:s14], $0x2800  }
0xaf: {  	[sflag:s14] =	ssyncset.done $0x0  }
0xb0: {  	[sflag:s14] =	ssyncadd.s32 $0xFFFFD800  }
0xb1: {  	_ =	sfence.sel $0x180000  }
0xb2: {  	[bflag:$0x0] =	sbarrier.arrive $0xFFFF  }
0xb3: {  	p0 =	sne.s32 s2, $0x0;
	_ =	strace $0x9000004A  }
0xb4: {  	s0 =	sadd.s32 @!p0 $0x100000, s0;
	[bflag:$0x2] =	sbarrier.arrive $0xFFFF  }
0xb5: {  	[sflag:s0] =	ssyncadd.tile.s32 @!p0 $0x1;
	_ =	shalt  }
.Lfunc_end2:
_tile_overlayer_lowered:
.L_overlay_start_2:
0xb6: {  	(tag) =	ssettag $0x2  }
0xb7: {  	s0 =	rddreg [dreg:$0x0];
	s2 =	stileid.u32  }
0xb8: {  	s1 =	rddreg [dreg:$0x1];
	p0 =	sne.s32 s2, $0x0  }
0xb9: {  	s3 =	rddreg [dreg:$0x2];
	[bflag:$0x3] =	sbarrier.arrive $0xFFFF;
	s2 =	simm.s32 @!p0 $0x1C03  }
0xba: {  	[timem:s3], [sflag:s2] =	dma.local @!p0 [hbm:s0], s1  }
0xbb: {  	s0 =	simm.s32 @!p0 $0x3  }
0xbc: {  	_ =	swait.ge @!p0 [sflag:s0], s1  }
0xbd: {  	s1 =	ssub.s32 @!p0 $0x0, s1;
	[sflag:s0] =	ssyncset.done @!p0 $0x0  }
0xbe: {  	[sflag:s0] =	ssyncadd.s32 @!p0 s1  }
0xbf: {  	[bflag:$0x3] =	sbarrier.arrive $0xFFFF  }
0xc0: {  	_ =	shalt  }

// kernel: kernel.7.cloned.1.call-start
scs
__scs_entry_jumppad:
0x0: {  	(pc) =	sbr.rel $0x88, $3  }
0x1: {  	(tag) =	ssettag $0x0;
	lr =	simm.s32 $0x1  }
0x2: {  	[smem:$0x3F99] =	sst lr;
	_ =	strace $0xD0000000  }
0x3: {  	_ = 	snop  }
0x4: {  	_ = 	snop  }
0x5: {  	_ = 	snop  }
0x6: {  	_ = 	snop  }
0x7: {  	_ = 	snop  }
__scs_overlays_trampoline_lowered:
0x8: {  	[smem:$0x3FA8] =	sst s0  }
0x9: {  	[smem:$0x3FA9] =	sst s1  }
0xa: {  	[smem:$0x3FAA] =	sst s2  }
0xb: {  	[smem:$0x3FAB] =	sst s3  }
0xc: {  	[smem:$0x3FAC] =	sst s4  }
0xd: {  	[smem:$0x3FAD] =	sst s5  }
0xe: {  	[smem:$0x3FAE] =	sst s6  }
0xf: {  	[smem:$0x3FAF] =	sst s7  }
0x10: {  	[smem:$0x3FB0] =	sst s8  }
0x11: {  	[smem:$0x3FB1] =	sst s9;
	s0 =	simm.s32 @!p0 $0x0  }
0x12: {  	s1 =	sld [smem:$0x3F97];
	s0 =	simm.s32 @p0 $0x1  }
0x13: {  	[smem:$0x3FB2] =	sst s0;
	s0 =	simm.s32 @!p1 $0x0  }
0x14: {  	s2 =	sld [smem:$0x3F96];
	s0 =	simm.s32 @p1 $0x1  }
0x15: {  	[smem:$0x3FB3] =	sst s0;
	s0 =	simm.s32 @!p2 $0x0  }
0x16: {  	s3 =	sld [smem:$0x3FDB];
	s0 =	simm.s32 @p2 $0x1  }
0x17: {  	s4 =	simm.s32 $0x1BF5;
	[smem:$0x3FB5] =	sst s0  }
0x18: {  	s0 =	sld [smem:$0x3F98];
	_ =	swait.ge [sflag:s4], $0x0  }
0x19: {  	s7 =	sld [smem:$0x3F99]  }
0x1a: {  	s8 =	sadd.s32 $0xFFFFE003, lr  }
0x1b: {  	s9 =	sadd.s32 $0xFFFFFEF7, lr;
	s5 =	simm.s32 $0xFFFFFFFF;
	p2 =	slt.u32 s8, $0xFFFFF086  }
0x1c: {  	p1 =	slt.u32 s9, $0xF7A;
	s5 =	simm.s32 @!p2 $0x0  }
0x1d: {  	s5 =	simm.s32 @p1 $0x1;
	p0 =	seq.s32 s7, s2  }
0x1e: {  	s7 =	smul.u32 @!p0 $0xF7A, s2;
	p2 =	seq.s32 @!p0 s5, $0x0  }
0x1f: {  	s9 =	smul.u32 $0xF7A, s1;
	s8 =	simm.s32 @!p0 $0x1BF5;
	p2 =	por !p2, p0  }
0x20: {  	[sflag:s8] =	ssyncset.s32 @!p0 $0xFFFFF086;
	s6 =	sadd.s32 @!p0 s3, s7;
	s7 =	simm.s32 @!p0 $0x108  }
0x21: {  	s3 =	sadd.s32 s3, s9;
	s6 =	sadd.s32 @!p0 $0x88, s6;
	s7 =	simm.s32 @p2 $0x1082  }
0x22: {  	[simem:s7], [sflag:s8] =	dma.local @!p0 [hbm:s6], $0xF7A  }
0x23: {  	s9 =	sor.u32 $0xD0000000, s2;
	s6 =	simm.s32 $0x108;
	_ =	swait.ge @!p0 [sflag:s8], $0x0  }
0x24: {  	s3 =	sadd.s32 $0x88, s3;
	s6 =	simm.s32 @!p1 $0x1082;
	[sflag:s4] =	ssyncset.s32 $0xFFFFF086  }
0x25: {  	[simem:s6], [sflag:s4] =	dma.local [hbm:s3], $0xF7A  }
0x26: {  	[smem:$0x3F99] =	sst s1;
	(tag) =	ssettag s2;
	_ =	strace s9  }
0x27: {  	s1 =	sld [smem:$0x3FA9]  }
0x28: {  	s2 =	sld [smem:$0x3FAA]  }
0x29: {  	s4 =	sld [smem:$0x3FAC]  }
0x2a: {  	p0 =	seq.s32 s5, $0x0;
	s5 =	sld [smem:$0x3FAD]  }
0x2b: {  	s6 =	sld [smem:$0x3FAE]  }
0x2c: {  	s7 =	sld [smem:$0x3FAF]  }
0x2d: {  	s3 =	simm.s32 $0x108;
	s8 =	sld [smem:$0x3FB0]  }
0x2e: {  	s3 =	simm.s32 @!p0 $0x1082;
	s9 =	sld [smem:$0x3FB1]  }
0x2f: {  	lr =	sadd.s32 s0, s3;
	s0 =	sld [smem:$0x3FA8]  }
0x30: {  	s3 =	sld [smem:$0x3FAB]  }
0x31: {  	[smem:$0x3FB4] =	sst s10  }
0x32: {  	s10 =	sld [smem:$0x3FB2];
	_ =	sdelay $0x3  }
0x33: {  	p0 =	seq.s32 s10, $0x1;
	s10 =	sld [smem:$0x3FB4];
	_ =	sdelay $0x3  }
0x34: {  	[smem:$0x3FB4] =	sst s10  }
0x35: {  	s10 =	sld [smem:$0x3FB3];
	_ =	sdelay $0x3  }
0x36: {  	p1 =	seq.s32 s10, $0x1;
	s10 =	sld [smem:$0x3FB4];
	_ =	sdelay $0x3  }
0x37: {  	[smem:$0x3FB4] =	sst s10  }
0x38: {  	s10 =	sld [smem:$0x3FB5]  }
0x39: {  	_ = 	snop;
	(pc) =	sbr.ind lr, $3  }
0x3a: {  	_ = 	snop  }
0x3b: {  	_ = 	snop  }
0x3c: {  	p2 =	seq.s32 s10, $0x1;
	s10 =	sld [smem:$0x3FB4]  }
0x3d: {  	_ =	shalt  }
0x3e: {  	_ =	shalt  }
0x3f: {  	_ =	shalt  }
0x40: {  	_ =	shalt  }
0x41: {  	_ =	shalt  }
0x42: {  	_ =	shalt  }
0x43: {  	_ =	shalt  }
0x44: {  	_ =	shalt  }
0x45: {  	_ =	shalt  }
0x46: {  	_ =	shalt  }
0x47: {  	_ =	shalt  }
0x48: {  	_ =	shalt  }
0x49: {  	_ =	shalt  }
0x4a: {  	_ =	shalt  }
0x4b: {  	_ =	shalt  }
0x4c: {  	_ =	shalt  }
0x4d: {  	_ =	shalt  }
0x4e: {  	_ =	shalt  }
0x4f: {  	_ =	shalt  }
0x50: {  	_ =	shalt  }
0x51: {  	_ =	shalt  }
0x52: {  	_ =	shalt  }
0x53: {  	_ =	shalt  }
0x54: {  	_ =	shalt  }
0x55: {  	_ =	shalt  }
0x56: {  	_ =	shalt  }
0x57: {  	_ =	shalt  }
0x58: {  	_ =	shalt  }
0x59: {  	_ =	shalt  }
0x5a: {  	_ =	shalt  }
0x5b: {  	_ =	shalt  }
0x5c: {  	_ =	shalt  }
0x5d: {  	_ =	shalt  }
0x5e: {  	_ =	shalt  }
0x5f: {  	_ =	shalt  }
0x60: {  	_ =	shalt  }
0x61: {  	_ =	shalt  }
0x62: {  	_ =	shalt  }
0x63: {  	_ =	shalt  }
0x64: {  	_ =	shalt  }
0x65: {  	_ =	shalt  }
0x66: {  	_ =	shalt  }
0x67: {  	_ =	shalt  }
0x68: {  	_ =	shalt  }
0x69: {  	_ =	shalt  }
0x6a: {  	_ =	shalt  }
0x6b: {  	_ =	shalt  }
0x6c: {  	_ =	shalt  }
0x6d: {  	_ =	shalt  }
0x6e: {  	_ =	shalt  }
0x6f: {  	_ =	shalt  }
0x70: {  	_ =	shalt  }
0x71: {  	_ =	shalt  }
0x72: {  	_ =	shalt  }
0x73: {  	_ =	shalt  }
0x74: {  	_ =	shalt  }
0x75: {  	_ =	shalt  }
0x76: {  	_ =	shalt  }
0x77: {  	_ =	shalt  }
0x78: {  	_ =	shalt  }
0x79: {  	_ =	shalt  }
0x7a: {  	_ =	shalt  }
0x7b: {  	_ =	shalt  }
0x7c: {  	_ =	shalt  }
0x7d: {  	_ =	shalt  }
0x7e: {  	_ =	shalt  }
0x7f: {  	_ =	shalt  }
0x80: {  	_ =	shalt  }
0x81: {  	_ =	shalt  }
0x82: {  	_ =	shalt  }
0x83: {  	_ =	shalt  }
0x84: {  	_ =	shalt  }
0x85: {  	_ =	shalt  }
0x86: {  	_ =	shalt  }
0x87: {  	_ =	shalt  }
.Lfunc_end0:
.L_simem_size_0:
called_computation_lowered:
.L_overlay_start_0:
0x88: {  	s2 =	sld [smem:$0x3FD9]  }
0x89: {  	s3 =	sld [smem:$0x3FFE];
	_ =	sdelay $0x1  }
0x8a: {  	s1 =	srdreg.scid  }
0x8b: {  	s0 =	sand.u32 $0x1, s1  }
0x8c: {  	s17 =	sshll.u32 s0, $0xA;
	s2 =	sadd.s32 s3, s2  }
0x8d: {  	s2 =	sadd.s32 s2, s17  }
0x8e: {  	[smem:$0x3FC0] =	sst s2  }
0x8f: {  	_ = 	snop  }
0x90: {  	s2 =	sld [smem:$0x3FD0];
	(tm) =	ssettm $0x1  }
0x91: {  	s18 =	sld [smem:$0x3FFB];
	_ =	sdelay $0x3  }
0x92: {  	_ =	strace s18  }
0x93: {  	s3 =	sld [smem:$0x3FFC];
	_ =	sdelay $0x3  }
0x94: {  	_ =	strace s3  }
0x95: {  	s3 =	sld [smem:$0x3FFD];
	_ =	sdelay $0x3  }
0x96: {  	_ =	strace s3  }
0x97: {  	_ =	strace $0x8FFFFFFF  }
0x98: {  	s19 =	sld [smem:$0x3FDB];
	_ =	sdelay $0x1  }
0x99: {  	s4 =	simm.s32 $_scs_section_size  }
0x9a: {  	s5 =	simm.s32 $_size__tile_overlayer_lowered;
	s6 =	simm.s32 $_tile_overlayer_lowered  }
0x9b: {  	s22 =	simm.s32 $0x1BFF;
	s21 =	sshll.u32 s6, $0x1;
	s3 =	sadd.s32 s4, s19  }
0x9c: {  	s7 =	simm.s32 $0x0;
	s20 =	sshll.u32 s5, $0x1;
	s5 =	sadd.s32 s21, s3  }
0x9d: {  	[timem:s7], [sflag:s22] =	dma.local [hbm:s5], s20  }
0x9e: {  	_ =	swait.ge [sflag:s22], s20  }
0x9f: {  	s4 =	ssub.s32 $0x0, s20;
	[sflag:s22] =	ssyncset.done $0x0  }
0xa0: {  	[sflag:s22] =	ssyncadd.s32 s4;
	_ =	sdelay $0x1  }
0xa1: {  	s23 =	simm.s32 $0x1B8B  }
0xa2: {  	_ =	swait.ge [sflag:s23], $0x1  }
0xa3: {  	[sflag:s23] =	ssyncset.done $0x0  }
0xa4: {  	s25 =	simm.s32 $0x1B8E;
	s24 =	sld [smem:$0x3FFE];
	[sflag:s23] =	ssyncadd.s32 $0xFFFFFFFF  }
0xa5: {  	s26 =	simm.s32 $execute0_lowered;
	[smem:$0x3FD2] =	sst s25  }
0xa6: {  	s5 =	sshll.u32 s26, $0x1;
	_ =	strace $0x80000046;
	[dreg:$0x1] =	wrdreg $0xFFFFFFFF  }
0xa7: {  	s28 =	simm.s32 $_size_execute0_lowered;
	s3 =	sadd.s32 s3, s5;
	[dreg:$0x0] =	wrdreg $0x0  }
0xa8: {  	s5 =	sshll.u32 s28, $0x1;
	[dreg:$0x2] =	wrdreg s3  }
0xa9: {  	[dreg:$0x3] =	wrdreg s5  }
0xaa: {  	[dreg:$0x4] =	wrdreg $0xC0  }
0xab: {  	_ =	task [dreg:s7], $0x5FFFF  }
0xac: {  	[dreg:$0x1] =	wrdreg $0xFFFFFFFF  }
0xad: {  	[dreg:$0x0] =	wrdreg $0x60  }
0xae: {  	[dreg:$0x2] =	wrdreg s2  }
0xaf: {  	[dreg:$0x3] =	wrdreg s24  }
0xb0: {  	[dreg:$0x4] =	wrdreg $0x0  }
0xb1: {  	[dreg:$0x5] =	wrdreg $0x9  }
0xb2: {  	_ =	task.clear_ibuf [dreg:s7], $0x6FFFF;
	_ =	strace $0x90000046  }
0xb3: {  	s29 =	simm.s32 $0x9;
	_ =	strace $0x80000048  }
0xb4: {  	_ =	swait.ge [sflag:s29], $0x1  }
0xb5: {  	[sflag:s29] =	ssyncadd.s32 $0xFFFFFFFF  }
0xb6: {  	_ =	strace $0x90000048  }
0xb7: {  	_ =	sfence  }
0xb8: {  	s30 =	sld [smem:$0x0];
	_ =	sdelay $0x2  }
0xb9: {  	s31 =	sshll.u32 s1, $0xD;
	s1 =	sshrl.u32 s1, $0x2  }
0xba: {  	s3 =	sand.u32 $0x4000, s31;
	s1 =	sadd.s32 s1, s30  }
0xbb: {  	s0 =	sor.u32 s3, s0;
	s1 =	sshll.u32 s1, $0x11  }
0xbc: {  	s0 =	sor.u32 s1, s0  }
0xbd: {  	s0 =	sadd.s32 $0x8F2B, s0  }
0xbe: {  	[sflag:s0] =	ssyncadd.remote.s32 $0x1  }
0xbf: {  	_ =	sfence.sel $0xFFFF  }
0xc0: {  	[dreg:$0x0] =	wrdreg $0xFFFFFFFF;
	(pc) =	sbr.abs _section_cstart, $3  }
0xc1: {  	[dreg:$0x1] =	wrdreg $0xFFFFFFFF  }
0xc2: {  	_ =	task.clear_ibuf [dreg:s7], $0x2FFFF;
	_ =	strace $0x9FFFFFFF  }
0xc3: {  	(tm) =	ssettm $0x7FFFFFFF  }
tec
execute0_lowered:
.L_overlay_start_1:
0x0: {  	(tag) =	ssettag $0x1  }
0x1: {  	s7 =	rddreg [dreg:$0x0]  }
0x2: {  	s6 =	rddreg [dreg:$0x1]  }
0x3: {  	s0 =	srdreg.scid;
	s2 =	rddreg [dreg:$0x2]  }
0x4: {  	s1 =	stileid.u32;
	s3 =	simm.s32 $0x0;
	s13 =	simm.s32 $0x14000  }
0x5: {  	s14 =	simm.s32 $0x80;
	s15 =	simm.s32 $0x0;
	s5 =	smul.u32 $0x14000, s1  }
0x6: {  	s8 =	sand.u32 $0x1, s0;
	s0 =	rddreg [dreg:$0x3];
	s11 =	smul.u32 $0x50000, s1  }
0x7: {  	[smem:$0x7FF] =	sst s3;
	s12 =	sshll.u32 s1, $0x6;
	s4 =	smul.u32 $0x140000, s8  }
0x8: {  	_ =	strace $0x80000047;
	s10 =	ssub.s32 $0x2, s8;
	s8 =	sshll.u32 s8, $0x4  }
0x9: {  	s31 =	sshrl.u32 s10, $0x1;
	s8 =	sor.u32 s1, s8;
	s11 =	sshrl.u32 s11, $0x2  }
0xa: {  	s9 =	sadd.s32 s5, s4;
	s4 =	sadd.s32 $0x1A00, s6;
	s5 =	sadd.s32 $0x2200, s6  }
0xb: {  	s8 =	smul.u32 $0x500, s8;
	s10 =	ssub.s32 s10, s31;
	s9 =	sshrl.u32 s9, $0x3  }
0xc: {  	s11 =	sadd.s32 s11, s2;
	s9 =	sadd.s32 s9, s6;
	s6 =	sor.u32 $0x1C01, s12  }
0xd: {  	s7 =	sadd.s32 s7, s8;
	s12 =	simm.s32 $0x16800;
	s8 =	sadd.s32 $0x4A00, s9  }
0xe: {  	s9 =	smax.u32 s10, $0x1;
	s10 =	sshrl.u32 s11, $0x3;
	s11 =	simm.s32 $0x1  }
.LBB2_1:
0xf: {  	[spmem:s10], [sflag:s6] =	dma.local [hbm:s5], $0x2800  }
0x10: {  	_ =	swait.ge [sflag:s11], $0x2800  }
0x11: {  	[sflag:s11] =	ssyncset.done $0x0  }
0x12: {  	[sflag:s11] =	ssyncadd.s32 $0xFFFFD800  }
0x13: {  	[tilespmem:s12], [sflag:$0x1] =	stream.linear.gather [hbm4b:s4+s3], $0x4000, $0x38;
	[tilespmem:$0x1A800] =	vst v63  }
0x14: {  	_ =	swait.ge [sflag:s11], $0x4000  }
0x15: {  	[sflag:s11] =	ssyncset.done $0x0  }
0x16: {  	[sflag:s11] =	ssyncadd.s32 $0xFFFFC000  }
0x17: {  	[tilespmem:s13], [sflag:$0x1] =	stream.linear.gather [hbm4b:s7+s3], $0x2800, $0x38;
	[tilespmem:$0x1A800] =	vst v63  }
0x18: {  	_ =	swait.ge [sflag:s11], $0x2800  }
0x19: {  	[sflag:s11] =	ssyncset.done $0x0  }
0x1a: {  	[sflag:s11] =	ssyncadd.s32 $0xFFFFD800  }
0x1b: {  	s16 =	simm.s32 $0x14000;
	[bflag:$0x0] =	sbarrier.arrive $0xFFFF  }
0x1c: {  	[spmem:s2] =	stream.indirect.scatter.add.f32 [tilespmem:s12], [sflag:$0x1], $0x80, s16, s14, $0xb8;
	[tilespmem:$0x1A800] =	vst v63  }
0x1d: {  	s16 =	simm.s32 $0x200;
	_ =	swait.ge [sflag:s11], $0x4000  }
.LBB2_2:
0x1e: {  	s17 =	sshra.s32 s16, $0x2;
	[sflag:s11] =	ssyncset.done $0x0;
	p0 =	sne.s32 s16, $0x9E00  }
.Ltmp0:
0x1f: {  	s17 =	sadd.s32 $0x14000, s17;
	[sflag:s11] =	ssyncadd.s32 $0xFFFFC000;
	(pc) =	sbr.rel @p0 .LBB2_2-.Ltmp0, $3  }
0x20: {  	[spmem:s2] =	stream.indirect.scatter.add.f32 [tilespmem:s12], [sflag:$0x1], $0x80, s17, s14, $0xb8;
	[tilespmem:$0x1A800] =	vst v63  }
0x21: {  	s16 =	sadd.s32 $0x200, s16;
	_ =	sdelay $0x1  }
0x22: {  	_ =	swait.ge [sflag:s11], $0x4000  }
0x23: {  	[sflag:s11] =	ssyncset.done $0x0;
	s15 =	sadd.s32 $0x1, s15  }
0x24: {  	[sflag:s11] =	ssyncadd.s32 $0xFFFFC000;
	p0 =	sne.s32 s15, s9  }
.Ltmp1:
0x25: {  	[bflag:$0x0] =	sbarrier.arrive $0xFFFF;
	(pc) =	sbr.rel @p0 .LBB2_1-.Ltmp1, $4  }
0x26: {  	[hbm:s8], [sflag:s6] =	dma.local [spmem:s10], $0x2800  }
0x27: {  	_ =	swait.ge [sflag:s11], $0x2800  }
0x28: {  	[sflag:s11] =	ssyncset.done $0x0  }
0x29: {  	[sflag:s11] =	ssyncadd.s32 $0xFFFFD800  }
0x2a: {  	_ =	sfence.sel $0x180000  }
0x2b: {  	[bflag:$0x0] =	sbarrier.arrive $0xFFFF  }
0x2c: {  	p0 =	sne.s32 s1, $0x0;
	_ =	strace $0x90000047  }
0x2d: {  	s0 =	sadd.s32 @!p0 $0x100000, s0;
	[bflag:$0x2] =	sbarrier.arrive $0xFFFF  }
0x2e: {  	[sflag:s0] =	ssyncadd.tile.s32 @!p0 $0x1;
	_ =	shalt  }
.Lfunc_end2:
_tile_overlayer_lowered:
.L_overlay_start_2:
0x2f: {  	(tag) =	ssettag $0x2  }
0x30: {  	s0 =	rddreg [dreg:$0x0];
	s2 =	stileid.u32  }
0x31: {  	s1 =	rddreg [dreg:$0x1];
	p0 =	sne.s32 s2, $0x0  }
0x32: {  	s3 =	rddreg [dreg:$0x2];
	[bflag:$0x3] =	sbarrier.arrive $0xFFFF;
	s2 =	simm.s32 @!p0 $0x1C01  }
0x33: {  	[timem:s3], [sflag:s2] =	dma.local @!p0 [hbm:s0], s1  }
0x34: {  	s0 =	simm.s32 @!p0 $0x1  }
0x35: {  	_ =	swait.ge @!p0 [sflag:s0], s1  }
0x36: {  	s1 =	ssub.s32 @!p0 $0x0, s1;
	[sflag:s0] =	ssyncset.done @!p0 $0x0  }
0x37: {  	[sflag:s0] =	ssyncadd.s32 @!p0 s1  }
0x38: {  	[bflag:$0x3] =	sbarrier.arrive $0xFFFF  }
0x39: {  	_ =	shalt  }

</sc_bundles>
